<compile_context>
chip_gen: v7x
topology: tpu7x:2x2x1
jax: 0.10.2.dev20260603
libtpu: 0.0.44.dev20260713+nightly
codegen_flags: <defaults>
</compile_context>

<pallas_src>
import functools

import jax
import jax.numpy as jnp
from jax import lax
from jax.experimental import pallas as pl
from jax.experimental.pallas import tpu as pltpu
from jax.experimental.pallas import tpu_sc as plsc

N = 100000
LANES = 128
NROWS = 784
NPAD = NROWS * LANES
NC, NS = 2, 16
NW = NC * NS
E = 3200000
ROWS_W = 784
CH = 196
NOUTER = ROWS_W // CH
EROWS = NW * ROWS_W
EPAD = EROWS * LANES
CHL = CH * LANES
EW = ROWS_W * LANES


def _mesh():
    return plsc.VectorSubcoreMesh(core_axis_name="c", subcore_axis_name="s")


def _sc_degree(dst1d, zeros_np, ones_b_hbm):
    @functools.partial(
        pl.kernel,
        out_type=jax.ShapeDtypeStruct((NC, NPAD), jnp.float32),
        mesh=_mesh(),
        scratch_types=[
            pltpu.VMEM((CHL,), jnp.int32),
            pltpu.VMEM((CHL,), jnp.float32),
            pltpu.VMEM_SHARED((NPAD,), jnp.float32),
        ],
    )
    def deg_kernel(dst_hbm, zeros_hbm, ones_hbm, out_hbm, didx, ones_b, acc_sh):
        c = lax.axis_index("c")
        s = lax.axis_index("s")

        @pl.when(s == 0)
        def _():
            pltpu.sync_copy(zeros_hbm, acc_sh)

        pltpu.sync_copy(ones_hbm, ones_b)
        plsc.subcore_barrier()
        e0 = (c * NS + s) * EW

        @pl.loop(0, NOUTER)
        def _(t):
            pltpu.sync_copy(dst_hbm.at[pl.ds(e0 + t * CHL, CHL)], didx)
            pltpu.sync_copy(ones_b, acc_sh.at[didx], add=True)

        plsc.subcore_barrier()

        @pl.when(s == 0)
        def _():
            pltpu.sync_copy(acc_sh, out_hbm.at[c])

    return deg_kernel(dst1d, zeros_np, ones_b_hbm)


def _sc_scatter(src1d, dst1d, feats, zeros_np):
    F = len(feats)
    scratch = (
        [pltpu.VMEM((CHL,), jnp.int32)] * 2
        + [pltpu.VMEM((CHL,), jnp.float32)] * F
        + [pltpu.VMEM_SHARED((NPAD,), jnp.float32)] * F
        + [pltpu.VMEM_SHARED((NPAD,), jnp.float32)] * F
    )

    @functools.partial(
        pl.kernel,
        out_type=[jax.ShapeDtypeStruct((NC, NPAD), jnp.float32)] * F,
        mesh=_mesh(),
        scratch_types=scratch,
    )
    def scat_kernel(src_hbm, dst_hbm, *rest):
        feat_hbm = rest[:F]
        zeros_hbm = rest[F]
        outs = rest[F + 1:F + 1 + F]
        sidx, didx = rest[F + 1 + F:F + 3 + F]
        m = rest[F + 3 + F:F + 3 + 2 * F]
        u_sh = rest[F + 3 + 2 * F:F + 3 + 3 * F]
        acc_sh = rest[F + 3 + 3 * F:]
        c = lax.axis_index("c")
        s = lax.axis_index("s")

        @pl.when(s == 0)
        def _():
            for f in range(F):
                pltpu.sync_copy(zeros_hbm, acc_sh[f])
                pltpu.sync_copy(feat_hbm[f], u_sh[f])

        plsc.subcore_barrier()
        e0 = (c * NS + s) * EW

        @pl.loop(0, NOUTER)
        def _(t):
            pltpu.sync_copy(src_hbm.at[pl.ds(e0 + t * CHL, CHL)], sidx)
            pltpu.sync_copy(dst_hbm.at[pl.ds(e0 + t * CHL, CHL)], didx)

            for f in range(F):
                pltpu.sync_copy(u_sh[f].at[sidx], m[f])
            for f in range(F):
                pltpu.sync_copy(m[f], acc_sh[f].at[didx], add=True)

        plsc.subcore_barrier()

        @pl.when(s == 0)
        def _():
            for f in range(F):
                pltpu.sync_copy(acc_sh[f], outs[f].at[c])

    return scat_kernel(src1d, dst1d, *feats, zeros_np)


def _round_bf16(a):
    y = lax.bitcast_convert_type(a, jnp.uint32)
    y = (y + jnp.uint32(0x7FFF) + ((y >> 16) & jnp.uint32(1))) \
        & jnp.uint32(0xFFFF0000)
    return lax.bitcast_convert_type(y, jnp.float32)


def _tc_prep(degp, xt):
    def body(degp_ref, xt_ref, dinv_ref, u0_ref, u1_ref):
        deg = degp_ref[0] + degp_ref[1] + 1.0
        dinv = lax.rsqrt(deg)
        dinv = dinv * (1.5 - 0.5 * deg * dinv * dinv)
        dinv = dinv * (1.5 - 0.5 * deg * dinv * dinv)
        dinv_ref[...] = dinv
        u0_ref[...] = xt_ref[0] * dinv
        u1_ref[...] = xt_ref[1] * dinv

    o = jax.ShapeDtypeStruct((NROWS, LANES), jnp.float32)
    return pl.pallas_call(body, out_shape=(o, o, o))(degp, xt)


def _tc_mid(t1p0, t1p1, u0, u1, dinv, W1, b1, W2):
    def _r(a):
        y = lax.bitcast_convert_type(a, jnp.uint32)
        y = (y + jnp.uint32(0x7FFF) + ((y >> 16) & jnp.uint32(1))) \
            & jnp.uint32(0xFFFF0000)
        return lax.bitcast_convert_type(y, jnp.float32)

    def body(t0_ref, t1_ref, u0_ref, u1_ref, dinv_ref, w1_ref, b1_ref,
             w2_ref, v_ref):
        dinv = dinv_ref[...]
        sx0 = _r(dinv * (t0_ref[0] + t0_ref[1] + u0_ref[...]))
        sx1 = _r(dinv * (t1_ref[0] + t1_ref[1] + u1_ref[...]))
        acc = jnp.zeros((NROWS, LANES), jnp.float32)
        for j in range(16):
            hj = jnp.maximum(sx0 * w1_ref[0, j] + sx1 * w1_ref[1, j]
                             + b1_ref[j], 0.0)
            acc = acc + _r(hj) * w2_ref[j, 0]
        v_ref[...] = dinv * acc

    return pl.pallas_call(
        body,
        in_specs=[
            pl.BlockSpec(memory_space=pltpu.VMEM),
            pl.BlockSpec(memory_space=pltpu.VMEM),
            pl.BlockSpec(memory_space=pltpu.VMEM),
            pl.BlockSpec(memory_space=pltpu.VMEM),
            pl.BlockSpec(memory_space=pltpu.VMEM),
            pl.BlockSpec(memory_space=pltpu.SMEM),
            pl.BlockSpec(memory_space=pltpu.SMEM),
            pl.BlockSpec(memory_space=pltpu.SMEM),
        ],
        out_shape=jax.ShapeDtypeStruct((NROWS, LANES), jnp.float32),
    )(t1p0, t1p1, u0, u1, dinv, W1, b1, W2)


def _tc_final(t2p, v, dinv, b2):
    def body(t2_ref, v_ref, dinv_ref, b2_ref, o_ref):
        o_ref[...] = dinv_ref[...] * (t2_ref[0] + t2_ref[1] + v_ref[...]) \
            + b2_ref[0]

    return pl.pallas_call(
        body,
        in_specs=[
            pl.BlockSpec(memory_space=pltpu.VMEM),
            pl.BlockSpec(memory_space=pltpu.VMEM),
            pl.BlockSpec(memory_space=pltpu.VMEM),
            pl.BlockSpec(memory_space=pltpu.SMEM),
        ],
        out_shape=jax.ShapeDtypeStruct((NROWS, LANES), jnp.float32),
    )(t2p, v, dinv, b2)


def kernel(x, edge_index, W1, b1, W2, b2):
    ei = edge_index.astype(jnp.int32)
    pad = EPAD - E
    src1d = jnp.concatenate([ei[0], jnp.zeros((pad,), jnp.int32)])
    dst1d = jnp.concatenate([ei[1], jnp.full((pad,), N, jnp.int32)])

    xt = jnp.pad(x.T, ((0, 0), (0, NPAD - N))).reshape(2, NROWS, LANES)
    zeros_np = jnp.zeros((NPAD,), jnp.float32)
    ones_row = jnp.ones((CHL,), jnp.float32)

    DBG_SC_DEG = True
    DBG_SC_SCAT = True
    src_p = src1d
    dst_p = dst1d
    if DBG_SC_DEG:
        degp = _sc_degree(dst1d, zeros_np, ones_row)
    else:
        deg_j = jnp.zeros((NPAD,), jnp.float32).at[dst_p].add(1.0)
        degp = jnp.stack([deg_j, jnp.zeros((NPAD,), jnp.float32)])
    dinv, u0, u1 = _tc_prep(degp.reshape(NC, NROWS, LANES), xt)

    if DBG_SC_SCAT:
        (t1p0, t1p1) = _sc_scatter(
            src1d, dst1d, (u0.reshape(NPAD), u1.reshape(NPAD)), zeros_np)
    else:
        z2 = jnp.zeros((NPAD,), jnp.float32)
        t1a = z2.at[dst_p].add(u0.reshape(NPAD)[src_p])
        t1b = z2.at[dst_p].add(u1.reshape(NPAD)[src_p])
        t1p0 = jnp.stack([t1a, z2])
        t1p1 = jnp.stack([t1b, z2])
    W1r = _round_bf16(W1)
    W2r = _round_bf16(W2)
    DBG_TC_MID = True
    if DBG_TC_MID:
        v = _tc_mid(t1p0.reshape(NC, NROWS, LANES),
                    t1p1.reshape(NC, NROWS, LANES),
                    u0, u1, dinv, W1r, b1, W2r)
    else:
        dv = dinv.reshape(NPAD)
        sx0 = dv * (t1p0[0] + t1p0[1] + u0.reshape(NPAD))
        sx1 = dv * (t1p1[0] + t1p1[1] + u1.reshape(NPAD))
        sx = jnp.stack([sx0, sx1], axis=1)
        h = jax.nn.relu(sx @ W1 + b1)
        v = ((h @ W2)[:, 0] * dv).reshape(NROWS, LANES)

    if DBG_SC_SCAT:
        (t2p,) = _sc_scatter(src1d, dst1d, (v.reshape(NPAD),), zeros_np)
    else:
        t2a = jnp.zeros((NPAD,), jnp.float32).at[dst_p].add(
            v.reshape(NPAD)[src_p])
        t2p = jnp.stack([t2a, jnp.zeros((NPAD,), jnp.float32)])
    out = _tc_final(t2p.reshape(NC, NROWS, LANES), v, dinv, b2)

    return out.reshape(NPAD)[:N].reshape(N, 1)

# --- scband reference (transcript-rebuilt; emitter-appended) ---
"""Pipeline reference for scband-gnnlatency-predictor-81088982548481 (READ-ONLY COPY).

The authoritative reference and input builder live on the scoring server;
editing this copy changes nothing except your own understanding.
"""

import jax, jax.numpy as jnp
import numpy as np

NUM_NODES = 100000
NUM_EDGES = 3200000
IN_DIM = 2
HID_DIM = 16
OUT_DIM = 1


def _glorot(key, shape):
    fan_in, fan_out = shape[0], shape[1]
    limit = float(np.sqrt(6.0 / (fan_in + fan_out)))
    return jax.random.uniform(key, shape, jnp.float32, -limit, limit)


def setup_inputs(seed: int = 0) -> dict:
    key = jax.random.key(seed)
    k_x, k_e, k_w1, k_w2 = jax.random.split(key, 4)
    x = jax.random.normal(k_x, (NUM_NODES, IN_DIM), dtype=jnp.float32)
    edge_index = jax.random.randint(k_e, (2, NUM_EDGES), 0, NUM_NODES, dtype=jnp.int64)
    W1 = _glorot(k_w1, (IN_DIM, HID_DIM))
    b1 = jnp.zeros((HID_DIM,), jnp.float32)
    W2 = _glorot(k_w2, (HID_DIM, OUT_DIM))
    b2 = jnp.zeros((OUT_DIM,), jnp.float32)
    return {"x": x, "edge_index": edge_index, "W1": W1, "b1": b1, "W2": W2, "b2": b2}


def _gcn_conv(x, src, dst, W, b, num_nodes):
    # PyG GCNConv: D^{-1/2} (A+I) D^{-1/2} X W + b, with self-loops already appended to src/dst
    deg = jnp.zeros((num_nodes,), jnp.float32).at[dst].add(1.0)
    dinv = jnp.where(deg > 0, jax.lax.rsqrt(jnp.maximum(deg, 1.0)), 0.0)
    xw = x @ W
    norm = (dinv[src] * dinv[dst])[:, None]
    msg = xw[src] * norm
    out = jax.ops.segment_sum(msg, dst, num_segments=num_nodes)
    return out + b


def reference(x, edge_index, W1, b1, W2, b2):
    num_nodes = x.shape[0]
    loop = jnp.arange(num_nodes, dtype=edge_index.dtype)
    src = jnp.concatenate([edge_index[0], loop])
    dst = jnp.concatenate([edge_index[1], loop])
    h = _gcn_conv(x, src, dst, W1, b1, num_nodes)
    h = jax.nn.relu(h)
    # dropout(p=0.1) is identity in eval mode
    out = _gcn_conv(h, src, dst, W2, b2, num_nodes)
    return out

if __name__ == "__main__":
    import jax
    _d = setup_inputs()
    print(jax.jit(kernel)(*tuple(_d.values())))

</pallas_src>

<mosaic_0001>
#map = affine_map<(d0, d1) -> (0)>
#map1 = affine_map<(d0, d1) -> (0, 0)>
module attributes {stable_mosaic.version = 14 : i64} {
  func.func @scat_kernel(%arg0: i32, %arg1: i32, %arg2: memref<3211264xi32, #tpu.memory_space<hbm>>, %arg3: memref<3211264xi32, #tpu.memory_space<hbm>>, %arg4: memref<100352xf32, #tpu.memory_space<hbm>>, %arg5: memref<100352xf32, #tpu.memory_space<hbm>>, %arg6: memref<2x100352xf32, #tpu.memory_space<hbm>>, %arg7: memref<25088xi32, #tpu.memory_space<vmem>>, %arg8: memref<25088xi32, #tpu.memory_space<vmem>>, %arg9: memref<25088xf32, #tpu.memory_space<vmem>>, %arg10: memref<100352xf32, #tpu.memory_space<vmem_shared>>, %arg11: memref<100352xf32, #tpu.memory_space<vmem_shared>>) attributes {dimension_semantics = [#tpu.dimension_semantics<core_parallel>, #tpu.dimension_semantics<subcore_parallel>], iteration_bounds = array<i64: 2, 16>, scalar_prefetch = 0 : i64, scratch_operands = 5 : i64, tpu.core_type = #tpu.core_type<sc_vector_subcore>, window_params = [{transform_indices = #map}, {transform_indices = #map}, {transform_indices = #map}, {transform_indices = #map}, {transform_indices = #map1}]} {
    %eq3A = arith.constant 0 : i32
    %eq3A_0 = arith.cmpi eq, %arg1, %eq3A : i32
    %convert_element_type3A = arith.extui %eq3A_0 : i1 to i32
    %cond3A = arith.constant 0 : i32
    %cond3A_1 = arith.cmpi ne, %convert_element_type3A, %cond3A : i32
    scf.if %cond3A_1 {
      "tpu.region"() ({
        %run_scoped3A = tpu.sem_alloc : memref<!tpu.dma_semaphore, #tpu.memory_space<semaphore_mem>>
        tpu.enqueue_dma source(%arg5 : memref<100352xf32, #tpu.memory_space<hbm>>) target(%arg11 : memref<100352xf32, #tpu.memory_space<vmem_shared>>) target_semaphore(%run_scoped3A : memref<!tpu.dma_semaphore, #tpu.memory_space<semaphore_mem>>)
        tpu.wait_dma2 semaphore(%run_scoped3A : memref<!tpu.dma_semaphore, #tpu.memory_space<semaphore_mem>>) src(%arg5 : memref<100352xf32, #tpu.memory_space<hbm>>) dst(%arg11 : memref<100352xf32, #tpu.memory_space<vmem_shared>>)
        tpu.yield
      }) : () -> ()
      "tpu.region"() ({
        %run_scoped3A = tpu.sem_alloc : memref<!tpu.dma_semaphore, #tpu.memory_space<semaphore_mem>>
        tpu.enqueue_dma source(%arg4 : memref<100352xf32, #tpu.memory_space<hbm>>) target(%arg10 : memref<100352xf32, #tpu.memory_space<vmem_shared>>) target_semaphore(%run_scoped3A : memref<!tpu.dma_semaphore, #tpu.memory_space<semaphore_mem>>)
        tpu.wait_dma2 semaphore(%run_scoped3A : memref<!tpu.dma_semaphore, #tpu.memory_space<semaphore_mem>>) src(%arg4 : memref<100352xf32, #tpu.memory_space<hbm>>) dst(%arg10 : memref<100352xf32, #tpu.memory_space<vmem_shared>>)
        tpu.yield
      }) : () -> ()
    } else {
    }
    %barrier3A = arith.constant 0 : index
    tpu.barrier barrier_id(%barrier3A)
    %mul3A = arith.constant 16 : i32
    %mul3A_2 = arith.muli %arg0, %mul3A : i32
    %add3A = arith.addi %mul3A_2, %arg1 : i32
    %mul3A_3 = arith.constant 100352 : i32
    %mul3A_4 = arith.muli %add3A, %mul3A_3 : i32
    %scan3A = arith.constant 0 : i32
    %scan3A_5 = arith.constant 4 : i32
    %scan3A_6 = arith.addi %scan3A, %scan3A_5 : i32
    %scan3A_7 = arith.constant 1 : i32
    scf.for %scan3A_15 = %scan3A to %scan3A_6 step %scan3A_7  : i32 {
      %mul3A_16 = arith.constant 1 : i32
      %mul3A_17 = arith.muli %scan3A_15, %mul3A_16 : i32
      %add3A_18 = arith.constant 0 : i32
      %add3A_19 = arith.addi %add3A_18, %mul3A_17 : i32
      %mul3A_20 = arith.constant 25088 : i32
      %mul3A_21 = arith.muli %add3A_19, %mul3A_20 : i32
      %add3A_22 = arith.addi %mul3A_4, %mul3A_21 : i32
      "tpu.region"() ({
        %run_scoped3A = tpu.sem_alloc : memref<!tpu.dma_semaphore, #tpu.memory_space<semaphore_mem>>
        %dma_start3A = tpu.memref_slice %arg2[%add3A_22] : memref<3211264xi32, #tpu.memory_space<hbm>> -> memref<25088xi32, #tpu.memory_space<hbm>>
        %dma_start3A_26 = tpu.memref_slice %arg2[%add3A_22] : memref<3211264xi32, #tpu.memory_space<hbm>> -> memref<25088xi32, #tpu.memory_space<hbm>>
        tpu.enqueue_dma source(%dma_start3A_26 : memref<25088xi32, #tpu.memory_space<hbm>>) target(%arg7 : memref<25088xi32, #tpu.memory_space<vmem>>) target_semaphore(%run_scoped3A : memref<!tpu.dma_semaphore, #tpu.memory_space<semaphore_mem>>)
        %dma_wait3A = tpu.memref_slice %arg2[%add3A_22] : memref<3211264xi32, #tpu.memory_space<hbm>> -> memref<25088xi32, #tpu.memory_space<hbm>>
        %dma_wait3A_27 = tpu.memref_slice %arg2[%add3A_22] : memref<3211264xi32, #tpu.memory_space<hbm>> -> memref<25088xi32, #tpu.memory_space<hbm>>
        tpu.wait_dma2 semaphore(%run_scoped3A : memref<!tpu.dma_semaphore, #tpu.memory_space<semaphore_mem>>) src(%dma_wait3A_27 : memref<25088xi32, #tpu.memory_space<hbm>>) dst(%arg7 : memref<25088xi32, #tpu.memory_space<vmem>>)
        tpu.yield
      }) : () -> ()
      %mul3A_23 = arith.constant 25088 : i32
      %mul3A_24 = arith.muli %add3A_19, %mul3A_23 : i32
      %add3A_25 = arith.addi %mul3A_4, %mul3A_24 : i32
      "tpu.region"() ({
        %run_scoped3A = tpu.sem_alloc : memref<!tpu.dma_semaphore, #tpu.memory_space<semaphore_mem>>
        %dma_start3A = tpu.memref_slice %arg3[%add3A_25] : memref<3211264xi32, #tpu.memory_space<hbm>> -> memref<25088xi32, #tpu.memory_space<hbm>>
        %dma_start3A_26 = tpu.memref_slice %arg3[%add3A_25] : memref<3211264xi32, #tpu.memory_space<hbm>> -> memref<25088xi32, #tpu.memory_space<hbm>>
        tpu.enqueue_dma source(%dma_start3A_26 : memref<25088xi32, #tpu.memory_space<hbm>>) target(%arg8 : memref<25088xi32, #tpu.memory_space<vmem>>) target_semaphore(%run_scoped3A : memref<!tpu.dma_semaphore, #tpu.memory_space<semaphore_mem>>)
        %dma_wait3A = tpu.memref_slice %arg3[%add3A_25] : memref<3211264xi32, #tpu.memory_space<hbm>> -> memref<25088xi32, #tpu.memory_space<hbm>>
        %dma_wait3A_27 = tpu.memref_slice %arg3[%add3A_25] : memref<3211264xi32, #tpu.memory_space<hbm>> -> memref<25088xi32, #tpu.memory_space<hbm>>
        tpu.wait_dma2 semaphore(%run_scoped3A : memref<!tpu.dma_semaphore, #tpu.memory_space<semaphore_mem>>) src(%dma_wait3A_27 : memref<25088xi32, #tpu.memory_space<hbm>>) dst(%arg8 : memref<25088xi32, #tpu.memory_space<vmem>>)
        tpu.yield
      }) : () -> ()
      "tpu.region"() ({
        %run_scoped3A = tpu.sem_alloc : memref<!tpu.dma_semaphore, #tpu.memory_space<semaphore_mem>>
        %dma_start3A = arith.constant 0 : i32
        %dma_start3A_26 = tpu.memref_slice %arg10[%dma_start3A] : memref<100352xf32, #tpu.memory_space<vmem_shared>> -> memref<100352xf32, #tpu.memory_space<vmem_shared>>
        tpu.enqueue_indirect_dma source(%dma_start3A_26 : memref<100352xf32, #tpu.memory_space<vmem_shared>>) target(%arg9 : memref<25088xf32, #tpu.memory_space<vmem>>) offsets(%arg7 : memref<25088xi32, #tpu.memory_space<vmem>>) semaphore(%run_scoped3A : memref<!tpu.dma_semaphore, #tpu.memory_space<semaphore_mem>>)
        %dma_wait3A = arith.constant 0 : i32
        %dma_wait3A_27 = tpu.memref_slice %arg10[%dma_wait3A] : memref<100352xf32, #tpu.memory_space<vmem_shared>> -> memref<100352xf32, #tpu.memory_space<vmem_shared>>
        tpu.wait_indirect_dma semaphore(%run_scoped3A : memref<!tpu.dma_semaphore, #tpu.memory_space<semaphore_mem>>) src(%dma_wait3A_27 : memref<100352xf32, #tpu.memory_space<vmem_shared>>) dst(%arg9 : memref<25088xf32, #tpu.memory_space<vmem>>)
        tpu.yield
      }) : () -> ()
      "tpu.region"() ({
        %run_scoped3A = tpu.sem_alloc : memref<!tpu.dma_semaphore, #tpu.memory_space<semaphore_mem>>
        %dma_start3A = arith.constant 0 : i32
        %dma_start3A_26 = tpu.memref_slice %arg11[%dma_start3A] : memref<100352xf32, #tpu.memory_space<vmem_shared>> -> memref<100352xf32, #tpu.memory_space<vmem_shared>>
        tpu.enqueue_indirect_dma source(%arg9 : memref<25088xf32, #tpu.memory_space<vmem>>) target(%dma_start3A_26 : memref<100352xf32, #tpu.memory_space<vmem_shared>>) offsets(%arg8 : memref<25088xi32, #tpu.memory_space<vmem>>) semaphore(%run_scoped3A : memref<!tpu.dma_semaphore, #tpu.memory_space<semaphore_mem>>) {add = true}
        %dma_wait3A = arith.constant 0 : i32
        %dma_wait3A_27 = tpu.memref_slice %arg11[%dma_wait3A] : memref<100352xf32, #tpu.memory_space<vmem_shared>> -> memref<100352xf32, #tpu.memory_space<vmem_shared>>
        tpu.wait_indirect_dma semaphore(%run_scoped3A : memref<!tpu.dma_semaphore, #tpu.memory_space<semaphore_mem>>) src(%arg9 : memref<25088xf32, #tpu.memory_space<vmem>>) dst(%dma_wait3A_27 : memref<100352xf32, #tpu.memory_space<vmem_shared>>)
        tpu.yield
      }) : () -> ()
    }
    %scan3A_8 = arith.constant 4 : i32
    %barrier3A_9 = arith.constant 0 : index
    tpu.barrier barrier_id(%barrier3A_9)
    %eq3A_10 = arith.constant 0 : i32
    %eq3A_11 = arith.cmpi eq, %arg1, %eq3A_10 : i32
    %convert_element_type3A_12 = arith.extui %eq3A_11 : i1 to i32
    %cond3A_13 = arith.constant 0 : i32
    %cond3A_14 = arith.cmpi ne, %convert_element_type3A_12, %cond3A_13 : i32
    scf.if %cond3A_14 {
      "tpu.region"() ({
        %run_scoped3A = tpu.sem_alloc : memref<!tpu.dma_semaphore, #tpu.memory_space<semaphore_mem>>
        %dma_start3A = arith.constant 0 : i32
        %dma_start3A_15 = tpu.memref_slice %arg6[%arg0, %dma_start3A] : memref<2x100352xf32, #tpu.memory_space<hbm>> -> memref<1x100352xf32, #tpu.memory_space<hbm>>
        %dma_start3A_16 = tpu.memref_squeeze %dma_start3A_15 : memref<1x100352xf32, #tpu.memory_space<hbm>> -> memref<100352xf32, #tpu.memory_space<hbm>>
        tpu.enqueue_dma source(%arg11 : memref<100352xf32, #tpu.memory_space<vmem_shared>>) target(%dma_start3A_16 : memref<100352xf32, #tpu.memory_space<hbm>>) target_semaphore(%run_scoped3A : memref<!tpu.dma_semaphore, #tpu.memory_space<semaphore_mem>>)
        %dma_wait3A = arith.constant 0 : i32
        %dma_wait3A_17 = tpu.memref_slice %arg6[%arg0, %dma_wait3A] : memref<2x100352xf32, #tpu.memory_space<hbm>> -> memref<1x100352xf32, #tpu.memory_space<hbm>>
        %dma_wait3A_18 = tpu.memref_squeeze %dma_wait3A_17 : memref<1x100352xf32, #tpu.memory_space<hbm>> -> memref<100352xf32, #tpu.memory_space<hbm>>
        tpu.wait_dma2 semaphore(%run_scoped3A : memref<!tpu.dma_semaphore, #tpu.memory_space<semaphore_mem>>) src(%arg11 : memref<100352xf32, #tpu.memory_space<vmem_shared>>) dst(%dma_wait3A_18 : memref<100352xf32, #tpu.memory_space<hbm>>)
        tpu.yield
      }) : () -> ()
    } else {
    }
    return
  }
}

#map = affine_map<(d0, d1) -> (0)>
#map1 = affine_map<(d0, d1) -> (0, 0)>
module attributes {stable_mosaic.version = 14 : i64} {
  func.func @deg_kernel(%arg0: i32, %arg1: i32, %arg2: memref<3211264xi32, #tpu.memory_space<hbm>>, %arg3: memref<100352xf32, #tpu.memory_space<hbm>>, %arg4: memref<25088xf32, #tpu.memory_space<hbm>>, %arg5: memref<2x100352xf32, #tpu.memory_space<hbm>>, %arg6: memref<25088xi32, #tpu.memory_space<vmem>>, %arg7: memref<25088xf32, #tpu.memory_space<vmem>>, %arg8: memref<100352xf32, #tpu.memory_space<vmem_shared>>) attributes {dimension_semantics = [#tpu.dimension_semantics<core_parallel>, #tpu.dimension_semantics<subcore_parallel>], iteration_bounds = array<i64: 2, 16>, scalar_prefetch = 0 : i64, scratch_operands = 3 : i64, tpu.core_type = #tpu.core_type<sc_vector_subcore>, window_params = [{transform_indices = #map}, {transform_indices = #map}, {transform_indices = #map}, {transform_indices = #map1}]} {
    %eq3A = arith.constant 0 : i32
    %eq3A_0 = arith.cmpi eq, %arg1, %eq3A : i32
    %convert_element_type3A = arith.extui %eq3A_0 : i1 to i32
    %cond3A = arith.constant 0 : i32
    %cond3A_1 = arith.cmpi ne, %convert_element_type3A, %cond3A : i32
    scf.if %cond3A_1 {
      "tpu.region"() ({
        %run_scoped3A = tpu.sem_alloc : memref<!tpu.dma_semaphore, #tpu.memory_space<semaphore_mem>>
        tpu.enqueue_dma source(%arg3 : memref<100352xf32, #tpu.memory_space<hbm>>) target(%arg8 : memref<100352xf32, #tpu.memory_space<vmem_shared>>) target_semaphore(%run_scoped3A : memref<!tpu.dma_semaphore, #tpu.memory_space<semaphore_mem>>)
        tpu.wait_dma2 semaphore(%run_scoped3A : memref<!tpu.dma_semaphore, #tpu.memory_space<semaphore_mem>>) src(%arg3 : memref<100352xf32, #tpu.memory_space<hbm>>) dst(%arg8 : memref<100352xf32, #tpu.memory_space<vmem_shared>>)
        tpu.yield
      }) : () -> ()
    } else {
    }
    "tpu.region"() ({
      %run_scoped3A = tpu.sem_alloc : memref<!tpu.dma_semaphore, #tpu.memory_space<semaphore_mem>>
      tpu.enqueue_dma source(%arg4 : memref<25088xf32, #tpu.memory_space<hbm>>) target(%arg7 : memref<25088xf32, #tpu.memory_space<vmem>>) target_semaphore(%run_scoped3A : memref<!tpu.dma_semaphore, #tpu.memory_space<semaphore_mem>>)
      tpu.wait_dma2 semaphore(%run_scoped3A : memref<!tpu.dma_semaphore, #tpu.memory_space<semaphore_mem>>) src(%arg4 : memref<25088xf32, #tpu.memory_space<hbm>>) dst(%arg7 : memref<25088xf32, #tpu.memory_space<vmem>>)
      tpu.yield
    }) : () -> ()
    %barrier3A = arith.constant 0 : index
    tpu.barrier barrier_id(%barrier3A)
    %mul3A = arith.constant 16 : i32
    %mul3A_2 = arith.muli %arg0, %mul3A : i32
    %add3A = arith.addi %mul3A_2, %arg1 : i32
    %mul3A_3 = arith.constant 100352 : i32
    %mul3A_4 = arith.muli %add3A, %mul3A_3 : i32
    %scan3A = arith.constant 0 : i32
    %scan3A_5 = arith.constant 4 : i32
    %scan3A_6 = arith.addi %scan3A, %scan3A_5 : i32
    %scan3A_7 = arith.constant 1 : i32
    scf.for %scan3A_15 = %scan3A to %scan3A_6 step %scan3A_7  : i32 {
      %mul3A_16 = arith.constant 1 : i32
      %mul3A_17 = arith.muli %scan3A_15, %mul3A_16 : i32
      %add3A_18 = arith.constant 0 : i32
      %add3A_19 = arith.addi %add3A_18, %mul3A_17 : i32
      %mul3A_20 = arith.constant 25088 : i32
      %mul3A_21 = arith.muli %add3A_19, %mul3A_20 : i32
      %add3A_22 = arith.addi %mul3A_4, %mul3A_21 : i32
      "tpu.region"() ({
        %run_scoped3A = tpu.sem_alloc : memref<!tpu.dma_semaphore, #tpu.memory_space<semaphore_mem>>
        %dma_start3A = tpu.memref_slice %arg2[%add3A_22] : memref<3211264xi32, #tpu.memory_space<hbm>> -> memref<25088xi32, #tpu.memory_space<hbm>>
        %dma_start3A_23 = tpu.memref_slice %arg2[%add3A_22] : memref<3211264xi32, #tpu.memory_space<hbm>> -> memref<25088xi32, #tpu.memory_space<hbm>>
        tpu.enqueue_dma source(%dma_start3A_23 : memref<25088xi32, #tpu.memory_space<hbm>>) target(%arg6 : memref<25088xi32, #tpu.memory_space<vmem>>) target_semaphore(%run_scoped3A : memref<!tpu.dma_semaphore, #tpu.memory_space<semaphore_mem>>)
        %dma_wait3A = tpu.memref_slice %arg2[%add3A_22] : memref<3211264xi32, #tpu.memory_space<hbm>> -> memref<25088xi32, #tpu.memory_space<hbm>>
        %dma_wait3A_24 = tpu.memref_slice %arg2[%add3A_22] : memref<3211264xi32, #tpu.memory_space<hbm>> -> memref<25088xi32, #tpu.memory_space<hbm>>
        tpu.wait_dma2 semaphore(%run_scoped3A : memref<!tpu.dma_semaphore, #tpu.memory_space<semaphore_mem>>) src(%dma_wait3A_24 : memref<25088xi32, #tpu.memory_space<hbm>>) dst(%arg6 : memref<25088xi32, #tpu.memory_space<vmem>>)
        tpu.yield
      }) : () -> ()
      "tpu.region"() ({
        %run_scoped3A = tpu.sem_alloc : memref<!tpu.dma_semaphore, #tpu.memory_space<semaphore_mem>>
        %dma_start3A = arith.constant 0 : i32
        %dma_start3A_23 = tpu.memref_slice %arg8[%dma_start3A] : memref<100352xf32, #tpu.memory_space<vmem_shared>> -> memref<100352xf32, #tpu.memory_space<vmem_shared>>
        tpu.enqueue_indirect_dma source(%arg7 : memref<25088xf32, #tpu.memory_space<vmem>>) target(%dma_start3A_23 : memref<100352xf32, #tpu.memory_space<vmem_shared>>) offsets(%arg6 : memref<25088xi32, #tpu.memory_space<vmem>>) semaphore(%run_scoped3A : memref<!tpu.dma_semaphore, #tpu.memory_space<semaphore_mem>>) {add = true}
        %dma_wait3A = arith.constant 0 : i32
        %dma_wait3A_24 = tpu.memref_slice %arg8[%dma_wait3A] : memref<100352xf32, #tpu.memory_space<vmem_shared>> -> memref<100352xf32, #tpu.memory_space<vmem_shared>>
        tpu.wait_indirect_dma semaphore(%run_scoped3A : memref<!tpu.dma_semaphore, #tpu.memory_space<semaphore_mem>>) src(%arg7 : memref<25088xf32, #tpu.memory_space<vmem>>) dst(%dma_wait3A_24 : memref<100352xf32, #tpu.memory_space<vmem_shared>>)
        tpu.yield
      }) : () -> ()
    }
    %scan3A_8 = arith.constant 4 : i32
    %barrier3A_9 = arith.constant 0 : index
    tpu.barrier barrier_id(%barrier3A_9)
    %eq3A_10 = arith.constant 0 : i32
    %eq3A_11 = arith.cmpi eq, %arg1, %eq3A_10 : i32
    %convert_element_type3A_12 = arith.extui %eq3A_11 : i1 to i32
    %cond3A_13 = arith.constant 0 : i32
    %cond3A_14 = arith.cmpi ne, %convert_element_type3A_12, %cond3A_13 : i32
    scf.if %cond3A_14 {
      "tpu.region"() ({
        %run_scoped3A = tpu.sem_alloc : memref<!tpu.dma_semaphore, #tpu.memory_space<semaphore_mem>>
        %dma_start3A = arith.constant 0 : i32
        %dma_start3A_15 = tpu.memref_slice %arg5[%arg0, %dma_start3A] : memref<2x100352xf32, #tpu.memory_space<hbm>> -> memref<1x100352xf32, #tpu.memory_space<hbm>>
        %dma_start3A_16 = tpu.memref_squeeze %dma_start3A_15 : memref<1x100352xf32, #tpu.memory_space<hbm>> -> memref<100352xf32, #tpu.memory_space<hbm>>
        tpu.enqueue_dma source(%arg8 : memref<100352xf32, #tpu.memory_space<vmem_shared>>) target(%dma_start3A_16 : memref<100352xf32, #tpu.memory_space<hbm>>) target_semaphore(%run_scoped3A : memref<!tpu.dma_semaphore, #tpu.memory_space<semaphore_mem>>)
        %dma_wait3A = arith.constant 0 : i32
        %dma_wait3A_17 = tpu.memref_slice %arg5[%arg0, %dma_wait3A] : memref<2x100352xf32, #tpu.memory_space<hbm>> -> memref<1x100352xf32, #tpu.memory_space<hbm>>
        %dma_wait3A_18 = tpu.memref_squeeze %dma_wait3A_17 : memref<1x100352xf32, #tpu.memory_space<hbm>> -> memref<100352xf32, #tpu.memory_space<hbm>>
        tpu.wait_dma2 semaphore(%run_scoped3A : memref<!tpu.dma_semaphore, #tpu.memory_space<semaphore_mem>>) src(%arg8 : memref<100352xf32, #tpu.memory_space<vmem_shared>>) dst(%dma_wait3A_18 : memref<100352xf32, #tpu.memory_space<hbm>>)
        tpu.yield
      }) : () -> ()
    } else {
    }
    return
  }
}

#map = affine_map<(d0, d1) -> (0)>
#map1 = affine_map<(d0, d1) -> (0, 0)>
module attributes {stable_mosaic.version = 14 : i64} {
  func.func @scat_kernel(%arg0: i32, %arg1: i32, %arg2: memref<3211264xi32, #tpu.memory_space<hbm>>, %arg3: memref<3211264xi32, #tpu.memory_space<hbm>>, %arg4: memref<100352xf32, #tpu.memory_space<hbm>>, %arg5: memref<100352xf32, #tpu.memory_space<hbm>>, %arg6: memref<100352xf32, #tpu.memory_space<hbm>>, %arg7: memref<2x100352xf32, #tpu.memory_space<hbm>>, %arg8: memref<2x100352xf32, #tpu.memory_space<hbm>>, %arg9: memref<25088xi32, #tpu.memory_space<vmem>>, %arg10: memref<25088xi32, #tpu.memory_space<vmem>>, %arg11: memref<25088xf32, #tpu.memory_space<vmem>>, %arg12: memref<25088xf32, #tpu.memory_space<vmem>>, %arg13: memref<100352xf32, #tpu.memory_space<vmem_shared>>, %arg14: memref<100352xf32, #tpu.memory_space<vmem_shared>>, %arg15: memref<100352xf32, #tpu.memory_space<vmem_shared>>, %arg16: memref<100352xf32, #tpu.memory_space<vmem_shared>>) attributes {dimension_semantics = [#tpu.dimension_semantics<core_parallel>, #tpu.dimension_semantics<subcore_parallel>], iteration_bounds = array<i64: 2, 16>, scalar_prefetch = 0 : i64, scratch_operands = 8 : i64, tpu.core_type = #tpu.core_type<sc_vector_subcore>, window_params = [{transform_indices = #map}, {transform_indices = #map}, {transform_indices = #map}, {transform_indices = #map}, {transform_indices = #map}, {transform_indices = #map1}, {transform_indices = #map1}]} {
    %eq3A = arith.constant 0 : i32
    %eq3A_0 = arith.cmpi eq, %arg1, %eq3A : i32
    %convert_element_type3A = arith.extui %eq3A_0 : i1 to i32
    %cond3A = arith.constant 0 : i32
    %cond3A_1 = arith.cmpi ne, %convert_element_type3A, %cond3A : i32
    scf.if %cond3A_1 {
      "tpu.region"() ({
        %run_scoped3A = tpu.sem_alloc : memref<!tpu.dma_semaphore, #tpu.memory_space<semaphore_mem>>
        tpu.enqueue_dma source(%arg6 : memref<100352xf32, #tpu.memory_space<hbm>>) target(%arg15 : memref<100352xf32, #tpu.memory_space<vmem_shared>>) target_semaphore(%run_scoped3A : memref<!tpu.dma_semaphore, #tpu.memory_space<semaphore_mem>>)
        tpu.wait_dma2 semaphore(%run_scoped3A : memref<!tpu.dma_semaphore, #tpu.memory_space<semaphore_mem>>) src(%arg6 : memref<100352xf32, #tpu.memory_space<hbm>>) dst(%arg15 : memref<100352xf32, #tpu.memory_space<vmem_shared>>)
        tpu.yield
      }) : () -> ()
      "tpu.region"() ({
        %run_scoped3A = tpu.sem_alloc : memref<!tpu.dma_semaphore, #tpu.memory_space<semaphore_mem>>
        tpu.enqueue_dma source(%arg4 : memref<100352xf32, #tpu.memory_space<hbm>>) target(%arg13 : memref<100352xf32, #tpu.memory_space<vmem_shared>>) target_semaphore(%run_scoped3A : memref<!tpu.dma_semaphore, #tpu.memory_space<semaphore_mem>>)
        tpu.wait_dma2 semaphore(%run_scoped3A : memref<!tpu.dma_semaphore, #tpu.memory_space<semaphore_mem>>) src(%arg4 : memref<100352xf32, #tpu.memory_space<hbm>>) dst(%arg13 : memref<100352xf32, #tpu.memory_space<vmem_shared>>)
        tpu.yield
      }) : () -> ()
      "tpu.region"() ({
        %run_scoped3A = tpu.sem_alloc : memref<!tpu.dma_semaphore, #tpu.memory_space<semaphore_mem>>
        tpu.enqueue_dma source(%arg6 : memref<100352xf32, #tpu.memory_space<hbm>>) target(%arg16 : memref<100352xf32, #tpu.memory_space<vmem_shared>>) target_semaphore(%run_scoped3A : memref<!tpu.dma_semaphore, #tpu.memory_space<semaphore_mem>>)
        tpu.wait_dma2 semaphore(%run_scoped3A : memref<!tpu.dma_semaphore, #tpu.memory_space<semaphore_mem>>) src(%arg6 : memref<100352xf32, #tpu.memory_space<hbm>>) dst(%arg16 : memref<100352xf32, #tpu.memory_space<vmem_shared>>)
        tpu.yield
      }) : () -> ()
      "tpu.region"() ({
        %run_scoped3A = tpu.sem_alloc : memref<!tpu.dma_semaphore, #tpu.memory_space<semaphore_mem>>
        tpu.enqueue_dma source(%arg5 : memref<100352xf32, #tpu.memory_space<hbm>>) target(%arg14 : memref<100352xf32, #tpu.memory_space<vmem_shared>>) target_semaphore(%run_scoped3A : memref<!tpu.dma_semaphore, #tpu.memory_space<semaphore_mem>>)
        tpu.wait_dma2 semaphore(%run_scoped3A : memref<!tpu.dma_semaphore, #tpu.memory_space<semaphore_mem>>) src(%arg5 : memref<100352xf32, #tpu.memory_space<hbm>>) dst(%arg14 : memref<100352xf32, #tpu.memory_space<vmem_shared>>)
        tpu.yield
      }) : () -> ()
    } else {
    }
    %barrier3A = arith.constant 0 : index
    tpu.barrier barrier_id(%barrier3A)
    %mul3A = arith.constant 16 : i32
    %mul3A_2 = arith.muli %arg0, %mul3A : i32
    %add3A = arith.addi %mul3A_2, %arg1 : i32
    %mul3A_3 = arith.constant 100352 : i32
    %mul3A_4 = arith.muli %add3A, %mul3A_3 : i32
    %scan3A = arith.constant 0 : i32
    %scan3A_5 = arith.constant 4 : i32
    %scan3A_6 = arith.addi %scan3A, %scan3A_5 : i32
    %scan3A_7 = arith.constant 1 : i32
    scf.for %scan3A_15 = %scan3A to %scan3A_6 step %scan3A_7  : i32 {
      %mul3A_16 = arith.constant 1 : i32
      %mul3A_17 = arith.muli %scan3A_15, %mul3A_16 : i32
      %add3A_18 = arith.constant 0 : i32
      %add3A_19 = arith.addi %add3A_18, %mul3A_17 : i32
      %mul3A_20 = arith.constant 25088 : i32
      %mul3A_21 = arith.muli %add3A_19, %mul3A_20 : i32
      %add3A_22 = arith.addi %mul3A_4, %mul3A_21 : i32
      "tpu.region"() ({
        %run_scoped3A = tpu.sem_alloc : memref<!tpu.dma_semaphore, #tpu.memory_space<semaphore_mem>>
        %dma_start3A = tpu.memref_slice %arg2[%add3A_22] : memref<3211264xi32, #tpu.memory_space<hbm>> -> memref<25088xi32, #tpu.memory_space<hbm>>
        %dma_start3A_26 = tpu.memref_slice %arg2[%add3A_22] : memref<3211264xi32, #tpu.memory_space<hbm>> -> memref<25088xi32, #tpu.memory_space<hbm>>
        tpu.enqueue_dma source(%dma_start3A_26 : memref<25088xi32, #tpu.memory_space<hbm>>) target(%arg9 : memref<25088xi32, #tpu.memory_space<vmem>>) target_semaphore(%run_scoped3A : memref<!tpu.dma_semaphore, #tpu.memory_space<semaphore_mem>>)
        %dma_wait3A = tpu.memref_slice %arg2[%add3A_22] : memref<3211264xi32, #tpu.memory_space<hbm>> -> memref<25088xi32, #tpu.memory_space<hbm>>
        %dma_wait3A_27 = tpu.memref_slice %arg2[%add3A_22] : memref<3211264xi32, #tpu.memory_space<hbm>> -> memref<25088xi32, #tpu.memory_space<hbm>>
        tpu.wait_dma2 semaphore(%run_scoped3A : memref<!tpu.dma_semaphore, #tpu.memory_space<semaphore_mem>>) src(%dma_wait3A_27 : memref<25088xi32, #tpu.memory_space<hbm>>) dst(%arg9 : memref<25088xi32, #tpu.memory_space<vmem>>)
        tpu.yield
      }) : () -> ()
      %mul3A_23 = arith.constant 25088 : i32
      %mul3A_24 = arith.muli %add3A_19, %mul3A_23 : i32
      %add3A_25 = arith.addi %mul3A_4, %mul3A_24 : i32
      "tpu.region"() ({
        %run_scoped3A = tpu.sem_alloc : memref<!tpu.dma_semaphore, #tpu.memory_space<semaphore_mem>>
        %dma_start3A = tpu.memref_slice %arg3[%add3A_25] : memref<3211264xi32, #tpu.memory_space<hbm>> -> memref<25088xi32, #tpu.memory_space<hbm>>
        %dma_start3A_26 = tpu.memref_slice %arg3[%add3A_25] : memref<3211264xi32, #tpu.memory_space<hbm>> -> memref<25088xi32, #tpu.memory_space<hbm>>
        tpu.enqueue_dma source(%dma_start3A_26 : memref<25088xi32, #tpu.memory_space<hbm>>) target(%arg10 : memref<25088xi32, #tpu.memory_space<vmem>>) target_semaphore(%run_scoped3A : memref<!tpu.dma_semaphore, #tpu.memory_space<semaphore_mem>>)
        %dma_wait3A = tpu.memref_slice %arg3[%add3A_25] : memref<3211264xi32, #tpu.memory_space<hbm>> -> memref<25088xi32, #tpu.memory_space<hbm>>
        %dma_wait3A_27 = tpu.memref_slice %arg3[%add3A_25] : memref<3211264xi32, #tpu.memory_space<hbm>> -> memref<25088xi32, #tpu.memory_space<hbm>>
        tpu.wait_dma2 semaphore(%run_scoped3A : memref<!tpu.dma_semaphore, #tpu.memory_space<semaphore_mem>>) src(%dma_wait3A_27 : memref<25088xi32, #tpu.memory_space<hbm>>) dst(%arg10 : memref<25088xi32, #tpu.memory_space<vmem>>)
        tpu.yield
      }) : () -> ()
      "tpu.region"() ({
        %run_scoped3A = tpu.sem_alloc : memref<!tpu.dma_semaphore, #tpu.memory_space<semaphore_mem>>
        %dma_start3A = arith.constant 0 : i32
        %dma_start3A_26 = tpu.memref_slice %arg13[%dma_start3A] : memref<100352xf32, #tpu.memory_space<vmem_shared>> -> memref<100352xf32, #tpu.memory_space<vmem_shared>>
        tpu.enqueue_indirect_dma source(%dma_start3A_26 : memref<100352xf32, #tpu.memory_space<vmem_shared>>) target(%arg11 : memref<25088xf32, #tpu.memory_space<vmem>>) offsets(%arg9 : memref<25088xi32, #tpu.memory_space<vmem>>) semaphore(%run_scoped3A : memref<!tpu.dma_semaphore, #tpu.memory_space<semaphore_mem>>)
        %dma_wait3A = arith.constant 0 : i32
        %dma_wait3A_27 = tpu.memref_slice %arg13[%dma_wait3A] : memref<100352xf32, #tpu.memory_space<vmem_shared>> -> memref<100352xf32, #tpu.memory_space<vmem_shared>>
        tpu.wait_indirect_dma semaphore(%run_scoped3A : memref<!tpu.dma_semaphore, #tpu.memory_space<semaphore_mem>>) src(%dma_wait3A_27 : memref<100352xf32, #tpu.memory_space<vmem_shared>>) dst(%arg11 : memref<25088xf32, #tpu.memory_space<vmem>>)
        tpu.yield
      }) : () -> ()
      "tpu.region"() ({
        %run_scoped3A = tpu.sem_alloc : memref<!tpu.dma_semaphore, #tpu.memory_space<semaphore_mem>>
        %dma_start3A = arith.constant 0 : i32
        %dma_start3A_26 = tpu.memref_slice %arg14[%dma_start3A] : memref<100352xf32, #tpu.memory_space<vmem_shared>> -> memref<100352xf32, #tpu.memory_space<vmem_shared>>
        tpu.enqueue_indirect_dma source(%dma_start3A_26 : memref<100352xf32, #tpu.memory_space<vmem_shared>>) target(%arg12 : memref<25088xf32, #tpu.memory_space<vmem>>) offsets(%arg9 : memref<25088xi32, #tpu.memory_space<vmem>>) semaphore(%run_scoped3A : memref<!tpu.dma_semaphore, #tpu.memory_space<semaphore_mem>>)
        %dma_wait3A = arith.constant 0 : i32
        %dma_wait3A_27 = tpu.memref_slice %arg14[%dma_wait3A] : memref<100352xf32, #tpu.memory_space<vmem_shared>> -> memref<100352xf32, #tpu.memory_space<vmem_shared>>
        tpu.wait_indirect_dma semaphore(%run_scoped3A : memref<!tpu.dma_semaphore, #tpu.memory_space<semaphore_mem>>) src(%dma_wait3A_27 : memref<100352xf32, #tpu.memory_space<vmem_shared>>) dst(%arg12 : memref<25088xf32, #tpu.memory_space<vmem>>)
        tpu.yield
      }) : () -> ()
      "tpu.region"() ({
        %run_scoped3A = tpu.sem_alloc : memref<!tpu.dma_semaphore, #tpu.memory_space<semaphore_mem>>
        %dma_start3A = arith.constant 0 : i32
        %dma_start3A_26 = tpu.memref_slice %arg15[%dma_start3A] : memref<100352xf32, #tpu.memory_space<vmem_shared>> -> memref<100352xf32, #tpu.memory_space<vmem_shared>>
        tpu.enqueue_indirect_dma source(%arg11 : memref<25088xf32, #tpu.memory_space<vmem>>) target(%dma_start3A_26 : memref<100352xf32, #tpu.memory_space<vmem_shared>>) offsets(%arg10 : memref<25088xi32, #tpu.memory_space<vmem>>) semaphore(%run_scoped3A : memref<!tpu.dma_semaphore, #tpu.memory_space<semaphore_mem>>) {add = true}
        %dma_wait3A = arith.constant 0 : i32
        %dma_wait3A_27 = tpu.memref_slice %arg15[%dma_wait3A] : memref<100352xf32, #tpu.memory_space<vmem_shared>> -> memref<100352xf32, #tpu.memory_space<vmem_shared>>
        tpu.wait_indirect_dma semaphore(%run_scoped3A : memref<!tpu.dma_semaphore, #tpu.memory_space<semaphore_mem>>) src(%arg11 : memref<25088xf32, #tpu.memory_space<vmem>>) dst(%dma_wait3A_27 : memref<100352xf32, #tpu.memory_space<vmem_shared>>)
        tpu.yield
      }) : () -> ()
      "tpu.region"() ({
        %run_scoped3A = tpu.sem_alloc : memref<!tpu.dma_semaphore, #tpu.memory_space<semaphore_mem>>
        %dma_start3A = arith.constant 0 : i32
        %dma_start3A_26 = tpu.memref_slice %arg16[%dma_start3A] : memref<100352xf32, #tpu.memory_space<vmem_shared>> -> memref<100352xf32, #tpu.memory_space<vmem_shared>>
        tpu.enqueue_indirect_dma source(%arg12 : memref<25088xf32, #tpu.memory_space<vmem>>) target(%dma_start3A_26 : memref<100352xf32, #tpu.memory_space<vmem_shared>>) offsets(%arg10 : memref<25088xi32, #tpu.memory_space<vmem>>) semaphore(%run_scoped3A : memref<!tpu.dma_semaphore, #tpu.memory_space<semaphore_mem>>) {add = true}
        %dma_wait3A = arith.constant 0 : i32
        %dma_wait3A_27 = tpu.memref_slice %arg16[%dma_wait3A] : memref<100352xf32, #tpu.memory_space<vmem_shared>> -> memref<100352xf32, #tpu.memory_space<vmem_shared>>
        tpu.wait_indirect_dma semaphore(%run_scoped3A : memref<!tpu.dma_semaphore, #tpu.memory_space<semaphore_mem>>) src(%arg12 : memref<25088xf32, #tpu.memory_space<vmem>>) dst(%dma_wait3A_27 : memref<100352xf32, #tpu.memory_space<vmem_shared>>)
        tpu.yield
      }) : () -> ()
    }
    %scan3A_8 = arith.constant 4 : i32
    %barrier3A_9 = arith.constant 0 : index
    tpu.barrier barrier_id(%barrier3A_9)
    %eq3A_10 = arith.constant 0 : i32
    %eq3A_11 = arith.cmpi eq, %arg1, %eq3A_10 : i32
    %convert_element_type3A_12 = arith.extui %eq3A_11 : i1 to i32
    %cond3A_13 = arith.constant 0 : i32
    %cond3A_14 = arith.cmpi ne, %convert_element_type3A_12, %cond3A_13 : i32
    scf.if %cond3A_14 {
      "tpu.region"() ({
        %run_scoped3A = tpu.sem_alloc : memref<!tpu.dma_semaphore, #tpu.memory_space<semaphore_mem>>
        %dma_start3A = arith.constant 0 : i32
        %dma_start3A_15 = tpu.memref_slice %arg7[%arg0, %dma_start3A] : memref<2x100352xf32, #tpu.memory_space<hbm>> -> memref<1x100352xf32, #tpu.memory_space<hbm>>
        %dma_start3A_16 = tpu.memref_squeeze %dma_start3A_15 : memref<1x100352xf32, #tpu.memory_space<hbm>> -> memref<100352xf32, #tpu.memory_space<hbm>>
        tpu.enqueue_dma source(%arg15 : memref<100352xf32, #tpu.memory_space<vmem_shared>>) target(%dma_start3A_16 : memref<100352xf32, #tpu.memory_space<hbm>>) target_semaphore(%run_scoped3A : memref<!tpu.dma_semaphore, #tpu.memory_space<semaphore_mem>>)
        %dma_wait3A = arith.constant 0 : i32
        %dma_wait3A_17 = tpu.memref_slice %arg7[%arg0, %dma_wait3A] : memref<2x100352xf32, #tpu.memory_space<hbm>> -> memref<1x100352xf32, #tpu.memory_space<hbm>>
        %dma_wait3A_18 = tpu.memref_squeeze %dma_wait3A_17 : memref<1x100352xf32, #tpu.memory_space<hbm>> -> memref<100352xf32, #tpu.memory_space<hbm>>
        tpu.wait_dma2 semaphore(%run_scoped3A : memref<!tpu.dma_semaphore, #tpu.memory_space<semaphore_mem>>) src(%arg15 : memref<100352xf32, #tpu.memory_space<vmem_shared>>) dst(%dma_wait3A_18 : memref<100352xf32, #tpu.memory_space<hbm>>)
        tpu.yield
      }) : () -> ()
      "tpu.region"() ({
        %run_scoped3A = tpu.sem_alloc : memref<!tpu.dma_semaphore, #tpu.memory_space<semaphore_mem>>
        %dma_start3A = arith.constant 0 : i32
        %dma_start3A_15 = tpu.memref_slice %arg8[%arg0, %dma_start3A] : memref<2x100352xf32, #tpu.memory_space<hbm>> -> memref<1x100352xf32, #tpu.memory_space<hbm>>
        %dma_start3A_16 = tpu.memref_squeeze %dma_start3A_15 : memref<1x100352xf32, #tpu.memory_space<hbm>> -> memref<100352xf32, #tpu.memory_space<hbm>>
        tpu.enqueue_dma source(%arg16 : memref<100352xf32, #tpu.memory_space<vmem_shared>>) target(%dma_start3A_16 : memref<100352xf32, #tpu.memory_space<hbm>>) target_semaphore(%run_scoped3A : memref<!tpu.dma_semaphore, #tpu.memory_space<semaphore_mem>>)
        %dma_wait3A = arith.constant 0 : i32
        %dma_wait3A_17 = tpu.memref_slice %arg8[%arg0, %dma_wait3A] : memref<2x100352xf32, #tpu.memory_space<hbm>> -> memref<1x100352xf32, #tpu.memory_space<hbm>>
        %dma_wait3A_18 = tpu.memref_squeeze %dma_wait3A_17 : memref<1x100352xf32, #tpu.memory_space<hbm>> -> memref<100352xf32, #tpu.memory_space<hbm>>
        tpu.wait_dma2 semaphore(%run_scoped3A : memref<!tpu.dma_semaphore, #tpu.memory_space<semaphore_mem>>) src(%arg16 : memref<100352xf32, #tpu.memory_space<vmem_shared>>) dst(%dma_wait3A_18 : memref<100352xf32, #tpu.memory_space<hbm>>)
        tpu.yield
      }) : () -> ()
    } else {
    }
    return
  }
}

module attributes {stable_mosaic.version = 14 : i64} {
  func.func @body(%arg0: memref<2x784x128xf32, #tpu.memory_space<vmem>>, %arg1: memref<2x784x128xf32, #tpu.memory_space<vmem>>, %arg2: memref<784x128xf32, #tpu.memory_space<vmem>>, %arg3: memref<784x128xf32, #tpu.memory_space<vmem>>, %arg4: memref<784x128xf32, #tpu.memory_space<vmem>>) attributes {dimension_semantics = [], scalar_prefetch = 0 : i64, scratch_operands = 0 : i64, tpu.core_type = #tpu.core_type<tc>} {
    %get3A = arith.constant 0 : index
    %get3A_0 = arith.constant 0 : index
    %get3A_1 = arith.constant 0 : index
    %get3A_2 = vector.load %arg0[%get3A, %get3A_0, %get3A_1] : memref<2x784x128xf32, #tpu.memory_space<vmem>>, vector<1x784x128xf32>
    %get3A_3 = vector.shape_cast %get3A_2 : vector<1x784x128xf32> to vector<784x128xf32>
    %get3A_4 = arith.constant 1 : index
    %get3A_5 = arith.constant 0 : index
    %get3A_6 = arith.constant 0 : index
    %get3A_7 = vector.load %arg0[%get3A_4, %get3A_5, %get3A_6] : memref<2x784x128xf32, #tpu.memory_space<vmem>>, vector<1x784x128xf32>
    %get3A_8 = vector.shape_cast %get3A_7 : vector<1x784x128xf32> to vector<784x128xf32>
    %add3A = arith.addf %get3A_3, %get3A_8 : vector<784x128xf32>
    %add3A_9 = arith.constant 1.000000e+00 : f32
    %add3A_10 = vector.broadcast %add3A_9 : f32 to vector<784x128xf32>
    %add3A_11 = arith.addf %add3A, %add3A_10 : vector<784x128xf32>
    %rsqrt3A = math.rsqrt %add3A_11 : vector<784x128xf32>
    %mul3A = arith.constant 5.000000e-01 : f32
    %mul3A_12 = vector.broadcast %mul3A : f32 to vector<784x128xf32>
    %mul3A_13 = arith.mulf %mul3A_12, %add3A_11 : vector<784x128xf32>
    %mul3A_14 = arith.mulf %mul3A_13, %rsqrt3A : vector<784x128xf32>
    %mul3A_15 = arith.mulf %mul3A_14, %rsqrt3A : vector<784x128xf32>
    %sub3A = arith.constant 1.500000e+00 : f32
    %sub3A_16 = vector.broadcast %sub3A : f32 to vector<784x128xf32>
    %sub3A_17 = arith.subf %sub3A_16, %mul3A_15 : vector<784x128xf32>
    %mul3A_18 = arith.mulf %rsqrt3A, %sub3A_17 : vector<784x128xf32>
    %mul3A_19 = arith.constant 5.000000e-01 : f32
    %mul3A_20 = vector.broadcast %mul3A_19 : f32 to vector<784x128xf32>
    %mul3A_21 = arith.mulf %mul3A_20, %add3A_11 : vector<784x128xf32>
    %mul3A_22 = arith.mulf %mul3A_21, %mul3A_18 : vector<784x128xf32>
    %mul3A_23 = arith.mulf %mul3A_22, %mul3A_18 : vector<784x128xf32>
    %sub3A_24 = arith.constant 1.500000e+00 : f32
    %sub3A_25 = vector.broadcast %sub3A_24 : f32 to vector<784x128xf32>
    %sub3A_26 = arith.subf %sub3A_25, %mul3A_23 : vector<784x128xf32>
    %mul3A_27 = arith.mulf %mul3A_18, %sub3A_26 : vector<784x128xf32>
    %swap3A = arith.constant 0 : index
    %swap3A_28 = arith.constant 0 : index
    %swap3A_29 = vector.load %arg2[%swap3A, %swap3A_28] : memref<784x128xf32, #tpu.memory_space<vmem>>, vector<784x128xf32>
    tpu.vector_store %arg2[%swap3A, %swap3A_28], %mul3A_27 {strides = array<i32>} : memref<784x128xf32, #tpu.memory_space<vmem>>, vector<784x128xf32>,
    %get3A_30 = arith.constant 0 : index
    %get3A_31 = arith.constant 0 : index
    %get3A_32 = arith.constant 0 : index
    %get3A_33 = vector.load %arg1[%get3A_30, %get3A_31, %get3A_32] : memref<2x784x128xf32, #tpu.memory_space<vmem>>, vector<1x784x128xf32>
    %get3A_34 = vector.shape_cast %get3A_33 : vector<1x784x128xf32> to vector<784x128xf32>
    %mul3A_35 = arith.mulf %get3A_34, %mul3A_27 : vector<784x128xf32>
    %swap3A_36 = arith.constant 0 : index
    %swap3A_37 = arith.constant 0 : index
    %swap3A_38 = vector.load %arg3[%swap3A_36, %swap3A_37] : memref<784x128xf32, #tpu.memory_space<vmem>>, vector<784x128xf32>
    tpu.vector_store %arg3[%swap3A_36, %swap3A_37], %mul3A_35 {strides = array<i32>} : memref<784x128xf32, #tpu.memory_space<vmem>>, vector<784x128xf32>,
    %get3A_39 = arith.constant 1 : index
    %get3A_40 = arith.constant 0 : index
    %get3A_41 = arith.constant 0 : index
    %get3A_42 = vector.load %arg1[%get3A_39, %get3A_40, %get3A_41] : memref<2x784x128xf32, #tpu.memory_space<vmem>>, vector<1x784x128xf32>
    %get3A_43 = vector.shape_cast %get3A_42 : vector<1x784x128xf32> to vector<784x128xf32>
    %mul3A_44 = arith.mulf %get3A_43, %mul3A_27 : vector<784x128xf32>
    %swap3A_45 = arith.constant 0 : index
    %swap3A_46 = arith.constant 0 : index
    %swap3A_47 = vector.load %arg4[%swap3A_45, %swap3A_46] : memref<784x128xf32, #tpu.memory_space<vmem>>, vector<784x128xf32>
    tpu.vector_store %arg4[%swap3A_45, %swap3A_46], %mul3A_44 {strides = array<i32>} : memref<784x128xf32, #tpu.memory_space<vmem>>, vector<784x128xf32>,
    return
  }
}

module attributes {stable_mosaic.version = 14 : i64} {
  func.func @body(%arg0: memref<2x784x128xf32, #tpu.memory_space<vmem>>, %arg1: memref<784x128xf32, #tpu.memory_space<vmem>>, %arg2: memref<784x128xf32, #tpu.memory_space<vmem>>, %arg3: memref<1xf32, #tpu.memory_space<smem>>, %arg4: memref<784x128xf32, #tpu.memory_space<vmem>>) attributes {dimension_semantics = [], scalar_prefetch = 0 : i64, scratch_operands = 0 : i64, tpu.core_type = #tpu.core_type<tc>} {
    %get3A = arith.constant 0 : index
    %get3A_0 = arith.constant 0 : index
    %get3A_1 = vector.load %arg2[%get3A, %get3A_0] : memref<784x128xf32, #tpu.memory_space<vmem>>, vector<784x128xf32>
    %get3A_2 = arith.constant 0 : index
    %get3A_3 = arith.constant 0 : index
    %get3A_4 = arith.constant 0 : index
    %get3A_5 = vector.load %arg0[%get3A_2, %get3A_3, %get3A_4] : memref<2x784x128xf32, #tpu.memory_space<vmem>>, vector<1x784x128xf32>
    %get3A_6 = vector.shape_cast %get3A_5 : vector<1x784x128xf32> to vector<784x128xf32>
    %get3A_7 = arith.constant 1 : index
    %get3A_8 = arith.constant 0 : index
    %get3A_9 = arith.constant 0 : index
    %get3A_10 = vector.load %arg0[%get3A_7, %get3A_8, %get3A_9] : memref<2x784x128xf32, #tpu.memory_space<vmem>>, vector<1x784x128xf32>
    %get3A_11 = vector.shape_cast %get3A_10 : vector<1x784x128xf32> to vector<784x128xf32>
    %add3A = arith.addf %get3A_6, %get3A_11 : vector<784x128xf32>
    %get3A_12 = arith.constant 0 : index
    %get3A_13 = arith.constant 0 : index
    %get3A_14 = vector.load %arg1[%get3A_12, %get3A_13] : memref<784x128xf32, #tpu.memory_space<vmem>>, vector<784x128xf32>
    %add3A_15 = arith.addf %add3A, %get3A_14 : vector<784x128xf32>
    %mul3A = arith.mulf %get3A_1, %add3A_15 : vector<784x128xf32>
    %get3A_16 = arith.constant 0 : index
    %get3A_17 = memref.load %arg3[%get3A_16] : memref<1xf32, #tpu.memory_space<smem>>
    %add3A_18 = vector.broadcast %get3A_17 : f32 to vector<784x128xf32>
    %add3A_19 = arith.addf %mul3A, %add3A_18 : vector<784x128xf32>
    %swap3A = arith.constant 0 : index
    %swap3A_20 = arith.constant 0 : index
    %swap3A_21 = vector.load %arg4[%swap3A, %swap3A_20] : memref<784x128xf32, #tpu.memory_space<vmem>>, vector<784x128xf32>
    tpu.vector_store %arg4[%swap3A, %swap3A_20], %add3A_19 {strides = array<i32>} : memref<784x128xf32, #tpu.memory_space<vmem>>, vector<784x128xf32>,
    return
  }
}

module attributes {stable_mosaic.version = 14 : i64} {
  func.func @body(%arg0: memref<2x784x128xf32, #tpu.memory_space<vmem>>, %arg1: memref<2x784x128xf32, #tpu.memory_space<vmem>>, %arg2: memref<784x128xf32, #tpu.memory_space<vmem>>, %arg3: memref<784x128xf32, #tpu.memory_space<vmem>>, %arg4: memref<784x128xf32, #tpu.memory_space<vmem>>, %arg5: memref<2x16xf32, #tpu.memory_space<smem>>, %arg6: memref<16xf32, #tpu.memory_space<smem>>, %arg7: memref<16x1xf32, #tpu.memory_space<smem>>, %arg8: memref<784x128xf32, #tpu.memory_space<vmem>>) attributes {dimension_semantics = [], scalar_prefetch = 0 : i64, scratch_operands = 0 : i64, tpu.core_type = #tpu.core_type<tc>} {
    %get3A = arith.constant 0 : index
    %get3A_0 = arith.constant 0 : index
    %get3A_1 = vector.load %arg4[%get3A, %get3A_0] : memref<784x128xf32, #tpu.memory_space<vmem>>, vector<784x128xf32>
    %get3A_2 = arith.constant 0 : index
    %get3A_3 = arith.constant 0 : index
    %get3A_4 = arith.constant 0 : index
    %get3A_5 = vector.load %arg0[%get3A_2, %get3A_3, %get3A_4] : memref<2x784x128xf32, #tpu.memory_space<vmem>>, vector<1x784x128xf32>
    %get3A_6 = vector.shape_cast %get3A_5 : vector<1x784x128xf32> to vector<784x128xf32>
    %get3A_7 = arith.constant 1 : index
    %get3A_8 = arith.constant 0 : index
    %get3A_9 = arith.constant 0 : index
    %get3A_10 = vector.load %arg0[%get3A_7, %get3A_8, %get3A_9] : memref<2x784x128xf32, #tpu.memory_space<vmem>>, vector<1x784x128xf32>
    %get3A_11 = vector.shape_cast %get3A_10 : vector<1x784x128xf32> to vector<784x128xf32>
    %add3A = arith.addf %get3A_6, %get3A_11 : vector<784x128xf32>
    %get3A_12 = arith.constant 0 : index
    %get3A_13 = arith.constant 0 : index
    %get3A_14 = vector.load %arg2[%get3A_12, %get3A_13] : memref<784x128xf32, #tpu.memory_space<vmem>>, vector<784x128xf32>
    %add3A_15 = arith.addf %add3A, %get3A_14 : vector<784x128xf32>
    %mul3A = arith.mulf %get3A_1, %add3A_15 : vector<784x128xf32>
    %bitcast_convert_type3A = tpu.bitcast %mul3A : vector<784x128xf32> -> vector<784x128xi32>
    %add3A_16 = arith.constant 32767 : i32
    %add3A_17 = vector.broadcast %add3A_16 : i32 to vector<784x128xi32>
    %add3A_18 = arith.addi %bitcast_convert_type3A, %add3A_17 : vector<784x128xi32>
    %shift_right_logical3A = arith.constant 16 : i32
    %shift_right_logical3A_19 = vector.broadcast %shift_right_logical3A : i32 to vector<784x128xi32>
    %shift_right_logical3A_20 = arith.shrui %bitcast_convert_type3A, %shift_right_logical3A_19 : vector<784x128xi32>
    %and3A = arith.constant 1 : i32
    %and3A_21 = vector.broadcast %and3A : i32 to vector<784x128xi32>
    %and3A_22 = arith.andi %shift_right_logical3A_20, %and3A_21 : vector<784x128xi32>
    %add3A_23 = arith.addi %add3A_18, %and3A_22 : vector<784x128xi32>
    %and3A_24 = arith.constant -65536 : i32
    %and3A_25 = vector.broadcast %and3A_24 : i32 to vector<784x128xi32>
    %and3A_26 = arith.andi %add3A_23, %and3A_25 : vector<784x128xi32>
    %bitcast_convert_type3A_27 = tpu.bitcast %and3A_26 : vector<784x128xi32> -> vector<784x128xf32>
    %get3A_28 = arith.constant 0 : index
    %get3A_29 = arith.constant 0 : index
    %get3A_30 = arith.constant 0 : index
    %get3A_31 = vector.load %arg1[%get3A_28, %get3A_29, %get3A_30] : memref<2x784x128xf32, #tpu.memory_space<vmem>>, vector<1x784x128xf32>
    %get3A_32 = vector.shape_cast %get3A_31 : vector<1x784x128xf32> to vector<784x128xf32>
    %get3A_33 = arith.constant 1 : index
    %get3A_34 = arith.constant 0 : index
    %get3A_35 = arith.constant 0 : index
    %get3A_36 = vector.load %arg1[%get3A_33, %get3A_34, %get3A_35] : memref<2x784x128xf32, #tpu.memory_space<vmem>>, vector<1x784x128xf32>
    %get3A_37 = vector.shape_cast %get3A_36 : vector<1x784x128xf32> to vector<784x128xf32>
    %add3A_38 = arith.addf %get3A_32, %get3A_37 : vector<784x128xf32>
    %get3A_39 = arith.constant 0 : index
    %get3A_40 = arith.constant 0 : index
    %get3A_41 = vector.load %arg3[%get3A_39, %get3A_40] : memref<784x128xf32, #tpu.memory_space<vmem>>, vector<784x128xf32>
    %add3A_42 = arith.addf %add3A_38, %get3A_41 : vector<784x128xf32>
    %mul3A_43 = arith.mulf %get3A_1, %add3A_42 : vector<784x128xf32>
    %bitcast_convert_type3A_44 = tpu.bitcast %mul3A_43 : vector<784x128xf32> -> vector<784x128xi32>
    %add3A_45 = arith.constant 32767 : i32
    %add3A_46 = vector.broadcast %add3A_45 : i32 to vector<784x128xi32>
    %add3A_47 = arith.addi %bitcast_convert_type3A_44, %add3A_46 : vector<784x128xi32>
    %shift_right_logical3A_48 = arith.constant 16 : i32
    %shift_right_logical3A_49 = vector.broadcast %shift_right_logical3A_48 : i32 to vector<784x128xi32>
    %shift_right_logical3A_50 = arith.shrui %bitcast_convert_type3A_44, %shift_right_logical3A_49 : vector<784x128xi32>
    %and3A_51 = arith.constant 1 : i32
    %and3A_52 = vector.broadcast %and3A_51 : i32 to vector<784x128xi32>
    %and3A_53 = arith.andi %shift_right_logical3A_50, %and3A_52 : vector<784x128xi32>
    %add3A_54 = arith.addi %add3A_47, %and3A_53 : vector<784x128xi32>
    %and3A_55 = arith.constant -65536 : i32
    %and3A_56 = vector.broadcast %and3A_55 : i32 to vector<784x128xi32>
    %and3A_57 = arith.andi %add3A_54, %and3A_56 : vector<784x128xi32>
    %bitcast_convert_type3A_58 = tpu.bitcast %and3A_57 : vector<784x128xi32> -> vector<784x128xf32>
    %broadcast_in_dim3A = arith.constant 0.000000e+00 : f32
    %broadcast_in_dim3A_59 = vector.broadcast %broadcast_in_dim3A : f32 to vector<784x128xf32>
    %get3A_60 = arith.constant 0 : index
    %get3A_61 = arith.constant 0 : index
    %get3A_62 = memref.load %arg5[%get3A_60, %get3A_61] : memref<2x16xf32, #tpu.memory_space<smem>>
    %mul3A_63 = vector.broadcast %get3A_62 : f32 to vector<784x128xf32>
    %mul3A_64 = arith.mulf %bitcast_convert_type3A_27, %mul3A_63 : vector<784x128xf32>
    %get3A_65 = arith.constant 1 : index
    %get3A_66 = arith.constant 0 : index
    %get3A_67 = memref.load %arg5[%get3A_65, %get3A_66] : memref<2x16xf32, #tpu.memory_space<smem>>
    %mul3A_68 = vector.broadcast %get3A_67 : f32 to vector<784x128xf32>
    %mul3A_69 = arith.mulf %bitcast_convert_type3A_58, %mul3A_68 : vector<784x128xf32>
    %add3A_70 = arith.addf %mul3A_64, %mul3A_69 : vector<784x128xf32>
    %get3A_71 = arith.constant 0 : index
    %get3A_72 = memref.load %arg6[%get3A_71] : memref<16xf32, #tpu.memory_space<smem>>
    %add3A_73 = vector.broadcast %get3A_72 : f32 to vector<784x128xf32>
    %add3A_74 = arith.addf %add3A_70, %add3A_73 : vector<784x128xf32>
    %max3A = arith.constant 0.000000e+00 : f32
    %max3A_75 = vector.broadcast %max3A : f32 to vector<784x128xf32>
    %max3A_76 = arith.maximumf %add3A_74, %max3A_75 : vector<784x128xf32>
    %bitcast_convert_type3A_77 = tpu.bitcast %max3A_76 : vector<784x128xf32> -> vector<784x128xi32>
    %add3A_78 = arith.constant 32767 : i32
    %add3A_79 = vector.broadcast %add3A_78 : i32 to vector<784x128xi32>
    %add3A_80 = arith.addi %bitcast_convert_type3A_77, %add3A_79 : vector<784x128xi32>
    %shift_right_logical3A_81 = arith.constant 16 : i32
    %shift_right_logical3A_82 = vector.broadcast %shift_right_logical3A_81 : i32 to vector<784x128xi32>
    %shift_right_logical3A_83 = arith.shrui %bitcast_convert_type3A_77, %shift_right_logical3A_82 : vector<784x128xi32>
    %and3A_84 = arith.constant 1 : i32
    %and3A_85 = vector.broadcast %and3A_84 : i32 to vector<784x128xi32>
    %and3A_86 = arith.andi %shift_right_logical3A_83, %and3A_85 : vector<784x128xi32>
    %add3A_87 = arith.addi %add3A_80, %and3A_86 : vector<784x128xi32>
    %and3A_88 = arith.constant -65536 : i32
    %and3A_89 = vector.broadcast %and3A_88 : i32 to vector<784x128xi32>
    %and3A_90 = arith.andi %add3A_87, %and3A_89 : vector<784x128xi32>
    %bitcast_convert_type3A_91 = tpu.bitcast %and3A_90 : vector<784x128xi32> -> vector<784x128xf32>
    %get3A_92 = arith.constant 0 : index
    %get3A_93 = arith.constant 0 : index
    %get3A_94 = memref.load %arg7[%get3A_92, %get3A_93] : memref<16x1xf32, #tpu.memory_space<smem>>
    %mul3A_95 = vector.broadcast %get3A_94 : f32 to vector<784x128xf32>
    %mul3A_96 = arith.mulf %bitcast_convert_type3A_91, %mul3A_95 : vector<784x128xf32>
    %add3A_97 = arith.addf %broadcast_in_dim3A_59, %mul3A_96 : vector<784x128xf32>
    %get3A_98 = arith.constant 0 : index
    %get3A_99 = arith.constant 1 : index
    %get3A_100 = memref.load %arg5[%get3A_98, %get3A_99] : memref<2x16xf32, #tpu.memory_space<smem>>
    %mul3A_101 = vector.broadcast %get3A_100 : f32 to vector<784x128xf32>
    %mul3A_102 = arith.mulf %bitcast_convert_type3A_27, %mul3A_101 : vector<784x128xf32>
    %get3A_103 = arith.constant 1 : index
    %get3A_104 = arith.constant 1 : index
    %get3A_105 = memref.load %arg5[%get3A_103, %get3A_104] : memref<2x16xf32, #tpu.memory_space<smem>>
    %mul3A_106 = vector.broadcast %get3A_105 : f32 to vector<784x128xf32>
    %mul3A_107 = arith.mulf %bitcast_convert_type3A_58, %mul3A_106 : vector<784x128xf32>
    %add3A_108 = arith.addf %mul3A_102, %mul3A_107 : vector<784x128xf32>
    %get3A_109 = arith.constant 1 : index
    %get3A_110 = memref.load %arg6[%get3A_109] : memref<16xf32, #tpu.memory_space<smem>>
    %add3A_111 = vector.broadcast %get3A_110 : f32 to vector<784x128xf32>
    %add3A_112 = arith.addf %add3A_108, %add3A_111 : vector<784x128xf32>
    %max3A_113 = arith.constant 0.000000e+00 : f32
    %max3A_114 = vector.broadcast %max3A_113 : f32 to vector<784x128xf32>
    %max3A_115 = arith.maximumf %add3A_112, %max3A_114 : vector<784x128xf32>
    %bitcast_convert_type3A_116 = tpu.bitcast %max3A_115 : vector<784x128xf32> -> vector<784x128xi32>
    %add3A_117 = arith.constant 32767 : i32
    %add3A_118 = vector.broadcast %add3A_117 : i32 to vector<784x128xi32>
    %add3A_119 = arith.addi %bitcast_convert_type3A_116, %add3A_118 : vector<784x128xi32>
    %shift_right_logical3A_120 = arith.constant 16 : i32
    %shift_right_logical3A_121 = vector.broadcast %shift_right_logical3A_120 : i32 to vector<784x128xi32>
    %shift_right_logical3A_122 = arith.shrui %bitcast_convert_type3A_116, %shift_right_logical3A_121 : vector<784x128xi32>
    %and3A_123 = arith.constant 1 : i32
    %and3A_124 = vector.broadcast %and3A_123 : i32 to vector<784x128xi32>
    %and3A_125 = arith.andi %shift_right_logical3A_122, %and3A_124 : vector<784x128xi32>
    %add3A_126 = arith.addi %add3A_119, %and3A_125 : vector<784x128xi32>
    %and3A_127 = arith.constant -65536 : i32
    %and3A_128 = vector.broadcast %and3A_127 : i32 to vector<784x128xi32>
    %and3A_129 = arith.andi %add3A_126, %and3A_128 : vector<784x128xi32>
    %bitcast_convert_type3A_130 = tpu.bitcast %and3A_129 : vector<784x128xi32> -> vector<784x128xf32>
    %get3A_131 = arith.constant 1 : index
    %get3A_132 = arith.constant 0 : index
    %get3A_133 = memref.load %arg7[%get3A_131, %get3A_132] : memref<16x1xf32, #tpu.memory_space<smem>>
    %mul3A_134 = vector.broadcast %get3A_133 : f32 to vector<784x128xf32>
    %mul3A_135 = arith.mulf %bitcast_convert_type3A_130, %mul3A_134 : vector<784x128xf32>
    %add3A_136 = arith.addf %add3A_97, %mul3A_135 : vector<784x128xf32>
    %get3A_137 = arith.constant 0 : index
    %get3A_138 = arith.constant 2 : index
    %get3A_139 = memref.load %arg5[%get3A_137, %get3A_138] : memref<2x16xf32, #tpu.memory_space<smem>>
    %mul3A_140 = vector.broadcast %get3A_139 : f32 to vector<784x128xf32>
    %mul3A_141 = arith.mulf %bitcast_convert_type3A_27, %mul3A_140 : vector<784x128xf32>
    %get3A_142 = arith.constant 1 : index
    %get3A_143 = arith.constant 2 : index
    %get3A_144 = memref.load %arg5[%get3A_142, %get3A_143] : memref<2x16xf32, #tpu.memory_space<smem>>
    %mul3A_145 = vector.broadcast %get3A_144 : f32 to vector<784x128xf32>
    %mul3A_146 = arith.mulf %bitcast_convert_type3A_58, %mul3A_145 : vector<784x128xf32>
    %add3A_147 = arith.addf %mul3A_141, %mul3A_146 : vector<784x128xf32>
    %get3A_148 = arith.constant 2 : index
    %get3A_149 = memref.load %arg6[%get3A_148] : memref<16xf32, #tpu.memory_space<smem>>
    %add3A_150 = vector.broadcast %get3A_149 : f32 to vector<784x128xf32>
    %add3A_151 = arith.addf %add3A_147, %add3A_150 : vector<784x128xf32>
    %max3A_152 = arith.constant 0.000000e+00 : f32
    %max3A_153 = vector.broadcast %max3A_152 : f32 to vector<784x128xf32>
    %max3A_154 = arith.maximumf %add3A_151, %max3A_153 : vector<784x128xf32>
    %bitcast_convert_type3A_155 = tpu.bitcast %max3A_154 : vector<784x128xf32> -> vector<784x128xi32>
    %add3A_156 = arith.constant 32767 : i32
    %add3A_157 = vector.broadcast %add3A_156 : i32 to vector<784x128xi32>
    %add3A_158 = arith.addi %bitcast_convert_type3A_155, %add3A_157 : vector<784x128xi32>
    %shift_right_logical3A_159 = arith.constant 16 : i32
    %shift_right_logical3A_160 = vector.broadcast %shift_right_logical3A_159 : i32 to vector<784x128xi32>
    %shift_right_logical3A_161 = arith.shrui %bitcast_convert_type3A_155, %shift_right_logical3A_160 : vector<784x128xi32>
    %and3A_162 = arith.constant 1 : i32
    %and3A_163 = vector.broadcast %and3A_162 : i32 to vector<784x128xi32>
    %and3A_164 = arith.andi %shift_right_logical3A_161, %and3A_163 : vector<784x128xi32>
    %add3A_165 = arith.addi %add3A_158, %and3A_164 : vector<784x128xi32>
    %and3A_166 = arith.constant -65536 : i32
    %and3A_167 = vector.broadcast %and3A_166 : i32 to vector<784x128xi32>
    %and3A_168 = arith.andi %add3A_165, %and3A_167 : vector<784x128xi32>
    %bitcast_convert_type3A_169 = tpu.bitcast %and3A_168 : vector<784x128xi32> -> vector<784x128xf32>
    %get3A_170 = arith.constant 2 : index
    %get3A_171 = arith.constant 0 : index
    %get3A_172 = memref.load %arg7[%get3A_170, %get3A_171] : memref<16x1xf32, #tpu.memory_space<smem>>
    %mul3A_173 = vector.broadcast %get3A_172 : f32 to vector<784x128xf32>
    %mul3A_174 = arith.mulf %bitcast_convert_type3A_169, %mul3A_173 : vector<784x128xf32>
    %add3A_175 = arith.addf %add3A_136, %mul3A_174 : vector<784x128xf32>
    %get3A_176 = arith.constant 0 : index
    %get3A_177 = arith.constant 3 : index
    %get3A_178 = memref.load %arg5[%get3A_176, %get3A_177] : memref<2x16xf32, #tpu.memory_space<smem>>
    %mul3A_179 = vector.broadcast %get3A_178 : f32 to vector<784x128xf32>
    %mul3A_180 = arith.mulf %bitcast_convert_type3A_27, %mul3A_179 : vector<784x128xf32>
    %get3A_181 = arith.constant 1 : index
    %get3A_182 = arith.constant 3 : index
    %get3A_183 = memref.load %arg5[%get3A_181, %get3A_182] : memref<2x16xf32, #tpu.memory_space<smem>>
    %mul3A_184 = vector.broadcast %get3A_183 : f32 to vector<784x128xf32>
    %mul3A_185 = arith.mulf %bitcast_convert_type3A_58, %mul3A_184 : vector<784x128xf32>
    %add3A_186 = arith.addf %mul3A_180, %mul3A_185 : vector<784x128xf32>
    %get3A_187 = arith.constant 3 : index
    %get3A_188 = memref.load %arg6[%get3A_187] : memref<16xf32, #tpu.memory_space<smem>>
    %add3A_189 = vector.broadcast %get3A_188 : f32 to vector<784x128xf32>
    %add3A_190 = arith.addf %add3A_186, %add3A_189 : vector<784x128xf32>
    %max3A_191 = arith.constant 0.000000e+00 : f32
    %max3A_192 = vector.broadcast %max3A_191 : f32 to vector<784x128xf32>
    %max3A_193 = arith.maximumf %add3A_190, %max3A_192 : vector<784x128xf32>
    %bitcast_convert_type3A_194 = tpu.bitcast %max3A_193 : vector<784x128xf32> -> vector<784x128xi32>
    %add3A_195 = arith.constant 32767 : i32
    %add3A_196 = vector.broadcast %add3A_195 : i32 to vector<784x128xi32>
    %add3A_197 = arith.addi %bitcast_convert_type3A_194, %add3A_196 : vector<784x128xi32>
    %shift_right_logical3A_198 = arith.constant 16 : i32
    %shift_right_logical3A_199 = vector.broadcast %shift_right_logical3A_198 : i32 to vector<784x128xi32>
    %shift_right_logical3A_200 = arith.shrui %bitcast_convert_type3A_194, %shift_right_logical3A_199 : vector<784x128xi32>
    %and3A_201 = arith.constant 1 : i32
    %and3A_202 = vector.broadcast %and3A_201 : i32 to vector<784x128xi32>
    %and3A_203 = arith.andi %shift_right_logical3A_200, %and3A_202 : vector<784x128xi32>
    %add3A_204 = arith.addi %add3A_197, %and3A_203 : vector<784x128xi32>
    %and3A_205 = arith.constant -65536 : i32
    %and3A_206 = vector.broadcast %and3A_205 : i32 to vector<784x128xi32>
    %and3A_207 = arith.andi %add3A_204, %and3A_206 : vector<784x128xi32>
    %bitcast_convert_type3A_208 = tpu.bitcast %and3A_207 : vector<784x128xi32> -> vector<784x128xf32>
    %get3A_209 = arith.constant 3 : index
    %get3A_210 = arith.constant 0 : index
    %get3A_211 = memref.load %arg7[%get3A_209, %get3A_210] : memref<16x1xf32, #tpu.memory_space<smem>>
    %mul3A_212 = vector.broadcast %get3A_211 : f32 to vector<784x128xf32>
    %mul3A_213 = arith.mulf %bitcast_convert_type3A_208, %mul3A_212 : vector<784x128xf32>
    %add3A_214 = arith.addf %add3A_175, %mul3A_213 : vector<784x128xf32>
    %get3A_215 = arith.constant 0 : index
    %get3A_216 = arith.constant 4 : index
    %get3A_217 = memref.load %arg5[%get3A_215, %get3A_216] : memref<2x16xf32, #tpu.memory_space<smem>>
    %mul3A_218 = vector.broadcast %get3A_217 : f32 to vector<784x128xf32>
    %mul3A_219 = arith.mulf %bitcast_convert_type3A_27, %mul3A_218 : vector<784x128xf32>
    %get3A_220 = arith.constant 1 : index
    %get3A_221 = arith.constant 4 : index
    %get3A_222 = memref.load %arg5[%get3A_220, %get3A_221] : memref<2x16xf32, #tpu.memory_space<smem>>
    %mul3A_223 = vector.broadcast %get3A_222 : f32 to vector<784x128xf32>
    %mul3A_224 = arith.mulf %bitcast_convert_type3A_58, %mul3A_223 : vector<784x128xf32>
    %add3A_225 = arith.addf %mul3A_219, %mul3A_224 : vector<784x128xf32>
    %get3A_226 = arith.constant 4 : index
    %get3A_227 = memref.load %arg6[%get3A_226] : memref<16xf32, #tpu.memory_space<smem>>
    %add3A_228 = vector.broadcast %get3A_227 : f32 to vector<784x128xf32>
    %add3A_229 = arith.addf %add3A_225, %add3A_228 : vector<784x128xf32>
    %max3A_230 = arith.constant 0.000000e+00 : f32
    %max3A_231 = vector.broadcast %max3A_230 : f32 to vector<784x128xf32>
    %max3A_232 = arith.maximumf %add3A_229, %max3A_231 : vector<784x128xf32>
    %bitcast_convert_type3A_233 = tpu.bitcast %max3A_232 : vector<784x128xf32> -> vector<784x128xi32>
    %add3A_234 = arith.constant 32767 : i32
    %add3A_235 = vector.broadcast %add3A_234 : i32 to vector<784x128xi32>
    %add3A_236 = arith.addi %bitcast_convert_type3A_233, %add3A_235 : vector<784x128xi32>
    %shift_right_logical3A_237 = arith.constant 16 : i32
    %shift_right_logical3A_238 = vector.broadcast %shift_right_logical3A_237 : i32 to vector<784x128xi32>
    %shift_right_logical3A_239 = arith.shrui %bitcast_convert_type3A_233, %shift_right_logical3A_238 : vector<784x128xi32>
    %and3A_240 = arith.constant 1 : i32
    %and3A_241 = vector.broadcast %and3A_240 : i32 to vector<784x128xi32>
    %and3A_242 = arith.andi %shift_right_logical3A_239, %and3A_241 : vector<784x128xi32>
    %add3A_243 = arith.addi %add3A_236, %and3A_242 : vector<784x128xi32>
    %and3A_244 = arith.constant -65536 : i32
    %and3A_245 = vector.broadcast %and3A_244 : i32 to vector<784x128xi32>
    %and3A_246 = arith.andi %add3A_243, %and3A_245 : vector<784x128xi32>
    %bitcast_convert_type3A_247 = tpu.bitcast %and3A_246 : vector<784x128xi32> -> vector<784x128xf32>
    %get3A_248 = arith.constant 4 : index
    %get3A_249 = arith.constant 0 : index
    %get3A_250 = memref.load %arg7[%get3A_248, %get3A_249] : memref<16x1xf32, #tpu.memory_space<smem>>
    %mul3A_251 = vector.broadcast %get3A_250 : f32 to vector<784x128xf32>
    %mul3A_252 = arith.mulf %bitcast_convert_type3A_247, %mul3A_251 : vector<784x128xf32>
    %add3A_253 = arith.addf %add3A_214, %mul3A_252 : vector<784x128xf32>
    %get3A_254 = arith.constant 0 : index
    %get3A_255 = arith.constant 5 : index
    %get3A_256 = memref.load %arg5[%get3A_254, %get3A_255] : memref<2x16xf32, #tpu.memory_space<smem>>
    %mul3A_257 = vector.broadcast %get3A_256 : f32 to vector<784x128xf32>
    %mul3A_258 = arith.mulf %bitcast_convert_type3A_27, %mul3A_257 : vector<784x128xf32>
    %get3A_259 = arith.constant 1 : index
    %get3A_260 = arith.constant 5 : index
    %get3A_261 = memref.load %arg5[%get3A_259, %get3A_260] : memref<2x16xf32, #tpu.memory_space<smem>>
    %mul3A_262 = vector.broadcast %get3A_261 : f32 to vector<784x128xf32>
    %mul3A_263 = arith.mulf %bitcast_convert_type3A_58, %mul3A_262 : vector<784x128xf32>
    %add3A_264 = arith.addf %mul3A_258, %mul3A_263 : vector<784x128xf32>
    %get3A_265 = arith.constant 5 : index
    %get3A_266 = memref.load %arg6[%get3A_265] : memref<16xf32, #tpu.memory_space<smem>>
    %add3A_267 = vector.broadcast %get3A_266 : f32 to vector<784x128xf32>
    %add3A_268 = arith.addf %add3A_264, %add3A_267 : vector<784x128xf32>
    %max3A_269 = arith.constant 0.000000e+00 : f32
    %max3A_270 = vector.broadcast %max3A_269 : f32 to vector<784x128xf32>
    %max3A_271 = arith.maximumf %add3A_268, %max3A_270 : vector<784x128xf32>
    %bitcast_convert_type3A_272 = tpu.bitcast %max3A_271 : vector<784x128xf32> -> vector<784x128xi32>
    %add3A_273 = arith.constant 32767 : i32
    %add3A_274 = vector.broadcast %add3A_273 : i32 to vector<784x128xi32>
    %add3A_275 = arith.addi %bitcast_convert_type3A_272, %add3A_274 : vector<784x128xi32>
    %shift_right_logical3A_276 = arith.constant 16 : i32
    %shift_right_logical3A_277 = vector.broadcast %shift_right_logical3A_276 : i32 to vector<784x128xi32>
    %shift_right_logical3A_278 = arith.shrui %bitcast_convert_type3A_272, %shift_right_logical3A_277 : vector<784x128xi32>
    %and3A_279 = arith.constant 1 : i32
    %and3A_280 = vector.broadcast %and3A_279 : i32 to vector<784x128xi32>
    %and3A_281 = arith.andi %shift_right_logical3A_278, %and3A_280 : vector<784x128xi32>
    %add3A_282 = arith.addi %add3A_275, %and3A_281 : vector<784x128xi32>
    %and3A_283 = arith.constant -65536 : i32
    %and3A_284 = vector.broadcast %and3A_283 : i32 to vector<784x128xi32>
    %and3A_285 = arith.andi %add3A_282, %and3A_284 : vector<784x128xi32>
    %bitcast_convert_type3A_286 = tpu.bitcast %and3A_285 : vector<784x128xi32> -> vector<784x128xf32>
    %get3A_287 = arith.constant 5 : index
    %get3A_288 = arith.constant 0 : index
    %get3A_289 = memref.load %arg7[%get3A_287, %get3A_288] : memref<16x1xf32, #tpu.memory_space<smem>>
    %mul3A_290 = vector.broadcast %get3A_289 : f32 to vector<784x128xf32>
    %mul3A_291 = arith.mulf %bitcast_convert_type3A_286, %mul3A_290 : vector<784x128xf32>
    %add3A_292 = arith.addf %add3A_253, %mul3A_291 : vector<784x128xf32>
    %get3A_293 = arith.constant 0 : index
    %get3A_294 = arith.constant 6 : index
    %get3A_295 = memref.load %arg5[%get3A_293, %get3A_294] : memref<2x16xf32, #tpu.memory_space<smem>>
    %mul3A_296 = vector.broadcast %get3A_295 : f32 to vector<784x128xf32>
    %mul3A_297 = arith.mulf %bitcast_convert_type3A_27, %mul3A_296 : vector<784x128xf32>
    %get3A_298 = arith.constant 1 : index
    %get3A_299 = arith.constant 6 : index
    %get3A_300 = memref.load %arg5[%get3A_298, %get3A_299] : memref<2x16xf32, #tpu.memory_space<smem>>
    %mul3A_301 = vector.broadcast %get3A_300 : f32 to vector<784x128xf32>
    %mul3A_302 = arith.mulf %bitcast_convert_type3A_58, %mul3A_301 : vector<784x128xf32>
    %add3A_303 = arith.addf %mul3A_297, %mul3A_302 : vector<784x128xf32>
    %get3A_304 = arith.constant 6 : index
    %get3A_305 = memref.load %arg6[%get3A_304] : memref<16xf32, #tpu.memory_space<smem>>
    %add3A_306 = vector.broadcast %get3A_305 : f32 to vector<784x128xf32>
    %add3A_307 = arith.addf %add3A_303, %add3A_306 : vector<784x128xf32>
    %max3A_308 = arith.constant 0.000000e+00 : f32
    %max3A_309 = vector.broadcast %max3A_308 : f32 to vector<784x128xf32>
    %max3A_310 = arith.maximumf %add3A_307, %max3A_309 : vector<784x128xf32>
    %bitcast_convert_type3A_311 = tpu.bitcast %max3A_310 : vector<784x128xf32> -> vector<784x128xi32>
    %add3A_312 = arith.constant 32767 : i32
    %add3A_313 = vector.broadcast %add3A_312 : i32 to vector<784x128xi32>
    %add3A_314 = arith.addi %bitcast_convert_type3A_311, %add3A_313 : vector<784x128xi32>
    %shift_right_logical3A_315 = arith.constant 16 : i32
    %shift_right_logical3A_316 = vector.broadcast %shift_right_logical3A_315 : i32 to vector<784x128xi32>
    %shift_right_logical3A_317 = arith.shrui %bitcast_convert_type3A_311, %shift_right_logical3A_316 : vector<784x128xi32>
    %and3A_318 = arith.constant 1 : i32
    %and3A_319 = vector.broadcast %and3A_318 : i32 to vector<784x128xi32>
    %and3A_320 = arith.andi %shift_right_logical3A_317, %and3A_319 : vector<784x128xi32>
    %add3A_321 = arith.addi %add3A_314, %and3A_320 : vector<784x128xi32>
    %and3A_322 = arith.constant -65536 : i32
    %and3A_323 = vector.broadcast %and3A_322 : i32 to vector<784x128xi32>
    %and3A_324 = arith.andi %add3A_321, %and3A_323 : vector<784x128xi32>
    %bitcast_convert_type3A_325 = tpu.bitcast %and3A_324 : vector<784x128xi32> -> vector<784x128xf32>
    %get3A_326 = arith.constant 6 : index
    %get3A_327 = arith.constant 0 : index
    %get3A_328 = memref.load %arg7[%get3A_326, %get3A_327] : memref<16x1xf32, #tpu.memory_space<smem>>
    %mul3A_329 = vector.broadcast %get3A_328 : f32 to vector<784x128xf32>
    %mul3A_330 = arith.mulf %bitcast_convert_type3A_325, %mul3A_329 : vector<784x128xf32>
    %add3A_331 = arith.addf %add3A_292, %mul3A_330 : vector<784x128xf32>
    %get3A_332 = arith.constant 0 : index
    %get3A_333 = arith.constant 7 : index
    %get3A_334 = memref.load %arg5[%get3A_332, %get3A_333] : memref<2x16xf32, #tpu.memory_space<smem>>
    %mul3A_335 = vector.broadcast %get3A_334 : f32 to vector<784x128xf32>
    %mul3A_336 = arith.mulf %bitcast_convert_type3A_27, %mul3A_335 : vector<784x128xf32>
    %get3A_337 = arith.constant 1 : index
    %get3A_338 = arith.constant 7 : index
    %get3A_339 = memref.load %arg5[%get3A_337, %get3A_338] : memref<2x16xf32, #tpu.memory_space<smem>>
    %mul3A_340 = vector.broadcast %get3A_339 : f32 to vector<784x128xf32>
    %mul3A_341 = arith.mulf %bitcast_convert_type3A_58, %mul3A_340 : vector<784x128xf32>
    %add3A_342 = arith.addf %mul3A_336, %mul3A_341 : vector<784x128xf32>
    %get3A_343 = arith.constant 7 : index
    %get3A_344 = memref.load %arg6[%get3A_343] : memref<16xf32, #tpu.memory_space<smem>>
    %add3A_345 = vector.broadcast %get3A_344 : f32 to vector<784x128xf32>
    %add3A_346 = arith.addf %add3A_342, %add3A_345 : vector<784x128xf32>
    %max3A_347 = arith.constant 0.000000e+00 : f32
    %max3A_348 = vector.broadcast %max3A_347 : f32 to vector<784x128xf32>
    %max3A_349 = arith.maximumf %add3A_346, %max3A_348 : vector<784x128xf32>
    %bitcast_convert_type3A_350 = tpu.bitcast %max3A_349 : vector<784x128xf32> -> vector<784x128xi32>
    %add3A_351 = arith.constant 32767 : i32
    %add3A_352 = vector.broadcast %add3A_351 : i32 to vector<784x128xi32>
    %add3A_353 = arith.addi %bitcast_convert_type3A_350, %add3A_352 : vector<784x128xi32>
    %shift_right_logical3A_354 = arith.constant 16 : i32
    %shift_right_logical3A_355 = vector.broadcast %shift_right_logical3A_354 : i32 to vector<784x128xi32>
    %shift_right_logical3A_356 = arith.shrui %bitcast_convert_type3A_350, %shift_right_logical3A_355 : vector<784x128xi32>
    %and3A_357 = arith.constant 1 : i32
    %and3A_358 = vector.broadcast %and3A_357 : i32 to vector<784x128xi32>
    %and3A_359 = arith.andi %shift_right_logical3A_356, %and3A_358 : vector<784x128xi32>
    %add3A_360 = arith.addi %add3A_353, %and3A_359 : vector<784x128xi32>
    %and3A_361 = arith.constant -65536 : i32
    %and3A_362 = vector.broadcast %and3A_361 : i32 to vector<784x128xi32>
    %and3A_363 = arith.andi %add3A_360, %and3A_362 : vector<784x128xi32>
    %bitcast_convert_type3A_364 = tpu.bitcast %and3A_363 : vector<784x128xi32> -> vector<784x128xf32>
    %get3A_365 = arith.constant 7 : index
    %get3A_366 = arith.constant 0 : index
    %get3A_367 = memref.load %arg7[%get3A_365, %get3A_366] : memref<16x1xf32, #tpu.memory_space<smem>>
    %mul3A_368 = vector.broadcast %get3A_367 : f32 to vector<784x128xf32>
    %mul3A_369 = arith.mulf %bitcast_convert_type3A_364, %mul3A_368 : vector<784x128xf32>
    %add3A_370 = arith.addf %add3A_331, %mul3A_369 : vector<784x128xf32>
    %get3A_371 = arith.constant 0 : index
    %get3A_372 = arith.constant 8 : index
    %get3A_373 = memref.load %arg5[%get3A_371, %get3A_372] : memref<2x16xf32, #tpu.memory_space<smem>>
    %mul3A_374 = vector.broadcast %get3A_373 : f32 to vector<784x128xf32>
    %mul3A_375 = arith.mulf %bitcast_convert_type3A_27, %mul3A_374 : vector<784x128xf32>
    %get3A_376 = arith.constant 1 : index
    %get3A_377 = arith.constant 8 : index
    %get3A_378 = memref.load %arg5[%get3A_376, %get3A_377] : memref<2x16xf32, #tpu.memory_space<smem>>
    %mul3A_379 = vector.broadcast %get3A_378 : f32 to vector<784x128xf32>
    %mul3A_380 = arith.mulf %bitcast_convert_type3A_58, %mul3A_379 : vector<784x128xf32>
    %add3A_381 = arith.addf %mul3A_375, %mul3A_380 : vector<784x128xf32>
    %get3A_382 = arith.constant 8 : index
    %get3A_383 = memref.load %arg6[%get3A_382] : memref<16xf32, #tpu.memory_space<smem>>
    %add3A_384 = vector.broadcast %get3A_383 : f32 to vector<784x128xf32>
    %add3A_385 = arith.addf %add3A_381, %add3A_384 : vector<784x128xf32>
    %max3A_386 = arith.constant 0.000000e+00 : f32
    %max3A_387 = vector.broadcast %max3A_386 : f32 to vector<784x128xf32>
    %max3A_388 = arith.maximumf %add3A_385, %max3A_387 : vector<784x128xf32>
    %bitcast_convert_type3A_389 = tpu.bitcast %max3A_388 : vector<784x128xf32> -> vector<784x128xi32>
    %add3A_390 = arith.constant 32767 : i32
    %add3A_391 = vector.broadcast %add3A_390 : i32 to vector<784x128xi32>
    %add3A_392 = arith.addi %bitcast_convert_type3A_389, %add3A_391 : vector<784x128xi32>
    %shift_right_logical3A_393 = arith.constant 16 : i32
    %shift_right_logical3A_394 = vector.broadcast %shift_right_logical3A_393 : i32 to vector<784x128xi32>
    %shift_right_logical3A_395 = arith.shrui %bitcast_convert_type3A_389, %shift_right_logical3A_394 : vector<784x128xi32>
    %and3A_396 = arith.constant 1 : i32
    %and3A_397 = vector.broadcast %and3A_396 : i32 to vector<784x128xi32>
    %and3A_398 = arith.andi %shift_right_logical3A_395, %and3A_397 : vector<784x128xi32>
    %add3A_399 = arith.addi %add3A_392, %and3A_398 : vector<784x128xi32>
    %and3A_400 = arith.constant -65536 : i32
    %and3A_401 = vector.broadcast %and3A_400 : i32 to vector<784x128xi32>
    %and3A_402 = arith.andi %add3A_399, %and3A_401 : vector<784x128xi32>
    %bitcast_convert_type3A_403 = tpu.bitcast %and3A_402 : vector<784x128xi32> -> vector<784x128xf32>
    %get3A_404 = arith.constant 8 : index
    %get3A_405 = arith.constant 0 : index
    %get3A_406 = memref.load %arg7[%get3A_404, %get3A_405] : memref<16x1xf32, #tpu.memory_space<smem>>
    %mul3A_407 = vector.broadcast %get3A_406 : f32 to vector<784x128xf32>
    %mul3A_408 = arith.mulf %bitcast_convert_type3A_403, %mul3A_407 : vector<784x128xf32>
    %add3A_409 = arith.addf %add3A_370, %mul3A_408 : vector<784x128xf32>
    %get3A_410 = arith.constant 0 : index
    %get3A_411 = arith.constant 9 : index
    %get3A_412 = memref.load %arg5[%get3A_410, %get3A_411] : memref<2x16xf32, #tpu.memory_space<smem>>
    %mul3A_413 = vector.broadcast %get3A_412 : f32 to vector<784x128xf32>
    %mul3A_414 = arith.mulf %bitcast_convert_type3A_27, %mul3A_413 : vector<784x128xf32>
    %get3A_415 = arith.constant 1 : index
    %get3A_416 = arith.constant 9 : index
    %get3A_417 = memref.load %arg5[%get3A_415, %get3A_416] : memref<2x16xf32, #tpu.memory_space<smem>>
    %mul3A_418 = vector.broadcast %get3A_417 : f32 to vector<784x128xf32>
    %mul3A_419 = arith.mulf %bitcast_convert_type3A_58, %mul3A_418 : vector<784x128xf32>
    %add3A_420 = arith.addf %mul3A_414, %mul3A_419 : vector<784x128xf32>
    %get3A_421 = arith.constant 9 : index
    %get3A_422 = memref.load %arg6[%get3A_421] : memref<16xf32, #tpu.memory_space<smem>>
    %add3A_423 = vector.broadcast %get3A_422 : f32 to vector<784x128xf32>
    %add3A_424 = arith.addf %add3A_420, %add3A_423 : vector<784x128xf32>
    %max3A_425 = arith.constant 0.000000e+00 : f32
    %max3A_426 = vector.broadcast %max3A_425 : f32 to vector<784x128xf32>
    %max3A_427 = arith.maximumf %add3A_424, %max3A_426 : vector<784x128xf32>
    %bitcast_convert_type3A_428 = tpu.bitcast %max3A_427 : vector<784x128xf32> -> vector<784x128xi32>
    %add3A_429 = arith.constant 32767 : i32
    %add3A_430 = vector.broadcast %add3A_429 : i32 to vector<784x128xi32>
    %add3A_431 = arith.addi %bitcast_convert_type3A_428, %add3A_430 : vector<784x128xi32>
    %shift_right_logical3A_432 = arith.constant 16 : i32
    %shift_right_logical3A_433 = vector.broadcast %shift_right_logical3A_432 : i32 to vector<784x128xi32>
    %shift_right_logical3A_434 = arith.shrui %bitcast_convert_type3A_428, %shift_right_logical3A_433 : vector<784x128xi32>
    %and3A_435 = arith.constant 1 : i32
    %and3A_436 = vector.broadcast %and3A_435 : i32 to vector<784x128xi32>
    %and3A_437 = arith.andi %shift_right_logical3A_434, %and3A_436 : vector<784x128xi32>
    %add3A_438 = arith.addi %add3A_431, %and3A_437 : vector<784x128xi32>
    %and3A_439 = arith.constant -65536 : i32
    %and3A_440 = vector.broadcast %and3A_439 : i32 to vector<784x128xi32>
    %and3A_441 = arith.andi %add3A_438, %and3A_440 : vector<784x128xi32>
    %bitcast_convert_type3A_442 = tpu.bitcast %and3A_441 : vector<784x128xi32> -> vector<784x128xf32>
    %get3A_443 = arith.constant 9 : index
    %get3A_444 = arith.constant 0 : index
    %get3A_445 = memref.load %arg7[%get3A_443, %get3A_444] : memref<16x1xf32, #tpu.memory_space<smem>>
    %mul3A_446 = vector.broadcast %get3A_445 : f32 to vector<784x128xf32>
    %mul3A_447 = arith.mulf %bitcast_convert_type3A_442, %mul3A_446 : vector<784x128xf32>
    %add3A_448 = arith.addf %add3A_409, %mul3A_447 : vector<784x128xf32>
    %get3A_449 = arith.constant 0 : index
    %get3A_450 = arith.constant 10 : index
    %get3A_451 = memref.load %arg5[%get3A_449, %get3A_450] : memref<2x16xf32, #tpu.memory_space<smem>>
    %mul3A_452 = vector.broadcast %get3A_451 : f32 to vector<784x128xf32>
    %mul3A_453 = arith.mulf %bitcast_convert_type3A_27, %mul3A_452 : vector<784x128xf32>
    %get3A_454 = arith.constant 1 : index
    %get3A_455 = arith.constant 10 : index
    %get3A_456 = memref.load %arg5[%get3A_454, %get3A_455] : memref<2x16xf32, #tpu.memory_space<smem>>
    %mul3A_457 = vector.broadcast %get3A_456 : f32 to vector<784x128xf32>
    %mul3A_458 = arith.mulf %bitcast_convert_type3A_58, %mul3A_457 : vector<784x128xf32>
    %add3A_459 = arith.addf %mul3A_453, %mul3A_458 : vector<784x128xf32>
    %get3A_460 = arith.constant 10 : index
    %get3A_461 = memref.load %arg6[%get3A_460] : memref<16xf32, #tpu.memory_space<smem>>
    %add3A_462 = vector.broadcast %get3A_461 : f32 to vector<784x128xf32>
    %add3A_463 = arith.addf %add3A_459, %add3A_462 : vector<784x128xf32>
    %max3A_464 = arith.constant 0.000000e+00 : f32
    %max3A_465 = vector.broadcast %max3A_464 : f32 to vector<784x128xf32>
    %max3A_466 = arith.maximumf %add3A_463, %max3A_465 : vector<784x128xf32>
    %bitcast_convert_type3A_467 = tpu.bitcast %max3A_466 : vector<784x128xf32> -> vector<784x128xi32>
    %add3A_468 = arith.constant 32767 : i32
    %add3A_469 = vector.broadcast %add3A_468 : i32 to vector<784x128xi32>
    %add3A_470 = arith.addi %bitcast_convert_type3A_467, %add3A_469 : vector<784x128xi32>
    %shift_right_logical3A_471 = arith.constant 16 : i32
    %shift_right_logical3A_472 = vector.broadcast %shift_right_logical3A_471 : i32 to vector<784x128xi32>
    %shift_right_logical3A_473 = arith.shrui %bitcast_convert_type3A_467, %shift_right_logical3A_472 : vector<784x128xi32>
    %and3A_474 = arith.constant 1 : i32
    %and3A_475 = vector.broadcast %and3A_474 : i32 to vector<784x128xi32>
    %and3A_476 = arith.andi %shift_right_logical3A_473, %and3A_475 : vector<784x128xi32>
    %add3A_477 = arith.addi %add3A_470, %and3A_476 : vector<784x128xi32>
    %and3A_478 = arith.constant -65536 : i32
    %and3A_479 = vector.broadcast %and3A_478 : i32 to vector<784x128xi32>
    %and3A_480 = arith.andi %add3A_477, %and3A_479 : vector<784x128xi32>
    %bitcast_convert_type3A_481 = tpu.bitcast %and3A_480 : vector<784x128xi32> -> vector<784x128xf32>
    %get3A_482 = arith.constant 10 : index
    %get3A_483 = arith.constant 0 : index
    %get3A_484 = memref.load %arg7[%get3A_482, %get3A_483] : memref<16x1xf32, #tpu.memory_space<smem>>
    %mul3A_485 = vector.broadcast %get3A_484 : f32 to vector<784x128xf32>
    %mul3A_486 = arith.mulf %bitcast_convert_type3A_481, %mul3A_485 : vector<784x128xf32>
    %add3A_487 = arith.addf %add3A_448, %mul3A_486 : vector<784x128xf32>
    %get3A_488 = arith.constant 0 : index
    %get3A_489 = arith.constant 11 : index
    %get3A_490 = memref.load %arg5[%get3A_488, %get3A_489] : memref<2x16xf32, #tpu.memory_space<smem>>
    %mul3A_491 = vector.broadcast %get3A_490 : f32 to vector<784x128xf32>
    %mul3A_492 = arith.mulf %bitcast_convert_type3A_27, %mul3A_491 : vector<784x128xf32>
    %get3A_493 = arith.constant 1 : index
    %get3A_494 = arith.constant 11 : index
    %get3A_495 = memref.load %arg5[%get3A_493, %get3A_494] : memref<2x16xf32, #tpu.memory_space<smem>>
    %mul3A_496 = vector.broadcast %get3A_495 : f32 to vector<784x128xf32>
    %mul3A_497 = arith.mulf %bitcast_convert_type3A_58, %mul3A_496 : vector<784x128xf32>
    %add3A_498 = arith.addf %mul3A_492, %mul3A_497 : vector<784x128xf32>
    %get3A_499 = arith.constant 11 : index
    %get3A_500 = memref.load %arg6[%get3A_499] : memref<16xf32, #tpu.memory_space<smem>>
    %add3A_501 = vector.broadcast %get3A_500 : f32 to vector<784x128xf32>
    %add3A_502 = arith.addf %add3A_498, %add3A_501 : vector<784x128xf32>
    %max3A_503 = arith.constant 0.000000e+00 : f32
    %max3A_504 = vector.broadcast %max3A_503 : f32 to vector<784x128xf32>
    %max3A_505 = arith.maximumf %add3A_502, %max3A_504 : vector<784x128xf32>
    %bitcast_convert_type3A_506 = tpu.bitcast %max3A_505 : vector<784x128xf32> -> vector<784x128xi32>
    %add3A_507 = arith.constant 32767 : i32
    %add3A_508 = vector.broadcast %add3A_507 : i32 to vector<784x128xi32>
    %add3A_509 = arith.addi %bitcast_convert_type3A_506, %add3A_508 : vector<784x128xi32>
    %shift_right_logical3A_510 = arith.constant 16 : i32
    %shift_right_logical3A_511 = vector.broadcast %shift_right_logical3A_510 : i32 to vector<784x128xi32>
    %shift_right_logical3A_512 = arith.shrui %bitcast_convert_type3A_506, %shift_right_logical3A_511 : vector<784x128xi32>
    %and3A_513 = arith.constant 1 : i32
    %and3A_514 = vector.broadcast %and3A_513 : i32 to vector<784x128xi32>
    %and3A_515 = arith.andi %shift_right_logical3A_512, %and3A_514 : vector<784x128xi32>
    %add3A_516 = arith.addi %add3A_509, %and3A_515 : vector<784x128xi32>
    %and3A_517 = arith.constant -65536 : i32
    %and3A_518 = vector.broadcast %and3A_517 : i32 to vector<784x128xi32>
    %and3A_519 = arith.andi %add3A_516, %and3A_518 : vector<784x128xi32>
    %bitcast_convert_type3A_520 = tpu.bitcast %and3A_519 : vector<784x128xi32> -> vector<784x128xf32>
    %get3A_521 = arith.constant 11 : index
    %get3A_522 = arith.constant 0 : index
    %get3A_523 = memref.load %arg7[%get3A_521, %get3A_522] : memref<16x1xf32, #tpu.memory_space<smem>>
    %mul3A_524 = vector.broadcast %get3A_523 : f32 to vector<784x128xf32>
    %mul3A_525 = arith.mulf %bitcast_convert_type3A_520, %mul3A_524 : vector<784x128xf32>
    %add3A_526 = arith.addf %add3A_487, %mul3A_525 : vector<784x128xf32>
    %get3A_527 = arith.constant 0 : index
    %get3A_528 = arith.constant 12 : index
    %get3A_529 = memref.load %arg5[%get3A_527, %get3A_528] : memref<2x16xf32, #tpu.memory_space<smem>>
    %mul3A_530 = vector.broadcast %get3A_529 : f32 to vector<784x128xf32>
    %mul3A_531 = arith.mulf %bitcast_convert_type3A_27, %mul3A_530 : vector<784x128xf32>
    %get3A_532 = arith.constant 1 : index
    %get3A_533 = arith.constant 12 : index
    %get3A_534 = memref.load %arg5[%get3A_532, %get3A_533] : memref<2x16xf32, #tpu.memory_space<smem>>
    %mul3A_535 = vector.broadcast %get3A_534 : f32 to vector<784x128xf32>
    %mul3A_536 = arith.mulf %bitcast_convert_type3A_58, %mul3A_535 : vector<784x128xf32>
    %add3A_537 = arith.addf %mul3A_531, %mul3A_536 : vector<784x128xf32>
    %get3A_538 = arith.constant 12 : index
    %get3A_539 = memref.load %arg6[%get3A_538] : memref<16xf32, #tpu.memory_space<smem>>
    %add3A_540 = vector.broadcast %get3A_539 : f32 to vector<784x128xf32>
    %add3A_541 = arith.addf %add3A_537, %add3A_540 : vector<784x128xf32>
    %max3A_542 = arith.constant 0.000000e+00 : f32
    %max3A_543 = vector.broadcast %max3A_542 : f32 to vector<784x128xf32>
    %max3A_544 = arith.maximumf %add3A_541, %max3A_543 : vector<784x128xf32>
    %bitcast_convert_type3A_545 = tpu.bitcast %max3A_544 : vector<784x128xf32> -> vector<784x128xi32>
    %add3A_546 = arith.constant 32767 : i32
    %add3A_547 = vector.broadcast %add3A_546 : i32 to vector<784x128xi32>
    %add3A_548 = arith.addi %bitcast_convert_type3A_545, %add3A_547 : vector<784x128xi32>
    %shift_right_logical3A_549 = arith.constant 16 : i32
    %shift_right_logical3A_550 = vector.broadcast %shift_right_logical3A_549 : i32 to vector<784x128xi32>
    %shift_right_logical3A_551 = arith.shrui %bitcast_convert_type3A_545, %shift_right_logical3A_550 : vector<784x128xi32>
    %and3A_552 = arith.constant 1 : i32
    %and3A_553 = vector.broadcast %and3A_552 : i32 to vector<784x128xi32>
    %and3A_554 = arith.andi %shift_right_logical3A_551, %and3A_553 : vector<784x128xi32>
    %add3A_555 = arith.addi %add3A_548, %and3A_554 : vector<784x128xi32>
    %and3A_556 = arith.constant -65536 : i32
    %and3A_557 = vector.broadcast %and3A_556 : i32 to vector<784x128xi32>
    %and3A_558 = arith.andi %add3A_555, %and3A_557 : vector<784x128xi32>
    %bitcast_convert_type3A_559 = tpu.bitcast %and3A_558 : vector<784x128xi32> -> vector<784x128xf32>
    %get3A_560 = arith.constant 12 : index
    %get3A_561 = arith.constant 0 : index
    %get3A_562 = memref.load %arg7[%get3A_560, %get3A_561] : memref<16x1xf32, #tpu.memory_space<smem>>
    %mul3A_563 = vector.broadcast %get3A_562 : f32 to vector<784x128xf32>
    %mul3A_564 = arith.mulf %bitcast_convert_type3A_559, %mul3A_563 : vector<784x128xf32>
    %add3A_565 = arith.addf %add3A_526, %mul3A_564 : vector<784x128xf32>
    %get3A_566 = arith.constant 0 : index
    %get3A_567 = arith.constant 13 : index
    %get3A_568 = memref.load %arg5[%get3A_566, %get3A_567] : memref<2x16xf32, #tpu.memory_space<smem>>
    %mul3A_569 = vector.broadcast %get3A_568 : f32 to vector<784x128xf32>
    %mul3A_570 = arith.mulf %bitcast_convert_type3A_27, %mul3A_569 : vector<784x128xf32>
    %get3A_571 = arith.constant 1 : index
    %get3A_572 = arith.constant 13 : index
    %get3A_573 = memref.load %arg5[%get3A_571, %get3A_572] : memref<2x16xf32, #tpu.memory_space<smem>>
    %mul3A_574 = vector.broadcast %get3A_573 : f32 to vector<784x128xf32>
    %mul3A_575 = arith.mulf %bitcast_convert_type3A_58, %mul3A_574 : vector<784x128xf32>
    %add3A_576 = arith.addf %mul3A_570, %mul3A_575 : vector<784x128xf32>
    %get3A_577 = arith.constant 13 : index
    %get3A_578 = memref.load %arg6[%get3A_577] : memref<16xf32, #tpu.memory_space<smem>>
    %add3A_579 = vector.broadcast %get3A_578 : f32 to vector<784x128xf32>
    %add3A_580 = arith.addf %add3A_576, %add3A_579 : vector<784x128xf32>
    %max3A_581 = arith.constant 0.000000e+00 : f32
    %max3A_582 = vector.broadcast %max3A_581 : f32 to vector<784x128xf32>
    %max3A_583 = arith.maximumf %add3A_580, %max3A_582 : vector<784x128xf32>
    %bitcast_convert_type3A_584 = tpu.bitcast %max3A_583 : vector<784x128xf32> -> vector<784x128xi32>
    %add3A_585 = arith.constant 32767 : i32
    %add3A_586 = vector.broadcast %add3A_585 : i32 to vector<784x128xi32>
    %add3A_587 = arith.addi %bitcast_convert_type3A_584, %add3A_586 : vector<784x128xi32>
    %shift_right_logical3A_588 = arith.constant 16 : i32
    %shift_right_logical3A_589 = vector.broadcast %shift_right_logical3A_588 : i32 to vector<784x128xi32>
    %shift_right_logical3A_590 = arith.shrui %bitcast_convert_type3A_584, %shift_right_logical3A_589 : vector<784x128xi32>
    %and3A_591 = arith.constant 1 : i32
    %and3A_592 = vector.broadcast %and3A_591 : i32 to vector<784x128xi32>
    %and3A_593 = arith.andi %shift_right_logical3A_590, %and3A_592 : vector<784x128xi32>
    %add3A_594 = arith.addi %add3A_587, %and3A_593 : vector<784x128xi32>
    %and3A_595 = arith.constant -65536 : i32
    %and3A_596 = vector.broadcast %and3A_595 : i32 to vector<784x128xi32>
    %and3A_597 = arith.andi %add3A_594, %and3A_596 : vector<784x128xi32>
    %bitcast_convert_type3A_598 = tpu.bitcast %and3A_597 : vector<784x128xi32> -> vector<784x128xf32>
    %get3A_599 = arith.constant 13 : index
    %get3A_600 = arith.constant 0 : index
    %get3A_601 = memref.load %arg7[%get3A_599, %get3A_600] : memref<16x1xf32, #tpu.memory_space<smem>>
    %mul3A_602 = vector.broadcast %get3A_601 : f32 to vector<784x128xf32>
    %mul3A_603 = arith.mulf %bitcast_convert_type3A_598, %mul3A_602 : vector<784x128xf32>
    %add3A_604 = arith.addf %add3A_565, %mul3A_603 : vector<784x128xf32>
    %get3A_605 = arith.constant 0 : index
    %get3A_606 = arith.constant 14 : index
    %get3A_607 = memref.load %arg5[%get3A_605, %get3A_606] : memref<2x16xf32, #tpu.memory_space<smem>>
    %mul3A_608 = vector.broadcast %get3A_607 : f32 to vector<784x128xf32>
    %mul3A_609 = arith.mulf %bitcast_convert_type3A_27, %mul3A_608 : vector<784x128xf32>
    %get3A_610 = arith.constant 1 : index
    %get3A_611 = arith.constant 14 : index
    %get3A_612 = memref.load %arg5[%get3A_610, %get3A_611] : memref<2x16xf32, #tpu.memory_space<smem>>
    %mul3A_613 = vector.broadcast %get3A_612 : f32 to vector<784x128xf32>
    %mul3A_614 = arith.mulf %bitcast_convert_type3A_58, %mul3A_613 : vector<784x128xf32>
    %add3A_615 = arith.addf %mul3A_609, %mul3A_614 : vector<784x128xf32>
    %get3A_616 = arith.constant 14 : index
    %get3A_617 = memref.load %arg6[%get3A_616] : memref<16xf32, #tpu.memory_space<smem>>
    %add3A_618 = vector.broadcast %get3A_617 : f32 to vector<784x128xf32>
    %add3A_619 = arith.addf %add3A_615, %add3A_618 : vector<784x128xf32>
    %max3A_620 = arith.constant 0.000000e+00 : f32
    %max3A_621 = vector.broadcast %max3A_620 : f32 to vector<784x128xf32>
    %max3A_622 = arith.maximumf %add3A_619, %max3A_621 : vector<784x128xf32>
    %bitcast_convert_type3A_623 = tpu.bitcast %max3A_622 : vector<784x128xf32> -> vector<784x128xi32>
    %add3A_624 = arith.constant 32767 : i32
    %add3A_625 = vector.broadcast %add3A_624 : i32 to vector<784x128xi32>
    %add3A_626 = arith.addi %bitcast_convert_type3A_623, %add3A_625 : vector<784x128xi32>
    %shift_right_logical3A_627 = arith.constant 16 : i32
    %shift_right_logical3A_628 = vector.broadcast %shift_right_logical3A_627 : i32 to vector<784x128xi32>
    %shift_right_logical3A_629 = arith.shrui %bitcast_convert_type3A_623, %shift_right_logical3A_628 : vector<784x128xi32>
    %and3A_630 = arith.constant 1 : i32
    %and3A_631 = vector.broadcast %and3A_630 : i32 to vector<784x128xi32>
    %and3A_632 = arith.andi %shift_right_logical3A_629, %and3A_631 : vector<784x128xi32>
    %add3A_633 = arith.addi %add3A_626, %and3A_632 : vector<784x128xi32>
    %and3A_634 = arith.constant -65536 : i32
    %and3A_635 = vector.broadcast %and3A_634 : i32 to vector<784x128xi32>
    %and3A_636 = arith.andi %add3A_633, %and3A_635 : vector<784x128xi32>
    %bitcast_convert_type3A_637 = tpu.bitcast %and3A_636 : vector<784x128xi32> -> vector<784x128xf32>
    %get3A_638 = arith.constant 14 : index
    %get3A_639 = arith.constant 0 : index
    %get3A_640 = memref.load %arg7[%get3A_638, %get3A_639] : memref<16x1xf32, #tpu.memory_space<smem>>
    %mul3A_641 = vector.broadcast %get3A_640 : f32 to vector<784x128xf32>
    %mul3A_642 = arith.mulf %bitcast_convert_type3A_637, %mul3A_641 : vector<784x128xf32>
    %add3A_643 = arith.addf %add3A_604, %mul3A_642 : vector<784x128xf32>
    %get3A_644 = arith.constant 0 : index
    %get3A_645 = arith.constant 15 : index
    %get3A_646 = memref.load %arg5[%get3A_644, %get3A_645] : memref<2x16xf32, #tpu.memory_space<smem>>
    %mul3A_647 = vector.broadcast %get3A_646 : f32 to vector<784x128xf32>
    %mul3A_648 = arith.mulf %bitcast_convert_type3A_27, %mul3A_647 : vector<784x128xf32>
    %get3A_649 = arith.constant 1 : index
    %get3A_650 = arith.constant 15 : index
    %get3A_651 = memref.load %arg5[%get3A_649, %get3A_650] : memref<2x16xf32, #tpu.memory_space<smem>>
    %mul3A_652 = vector.broadcast %get3A_651 : f32 to vector<784x128xf32>
    %mul3A_653 = arith.mulf %bitcast_convert_type3A_58, %mul3A_652 : vector<784x128xf32>
    %add3A_654 = arith.addf %mul3A_648, %mul3A_653 : vector<784x128xf32>
    %get3A_655 = arith.constant 15 : index
    %get3A_656 = memref.load %arg6[%get3A_655] : memref<16xf32, #tpu.memory_space<smem>>
    %add3A_657 = vector.broadcast %get3A_656 : f32 to vector<784x128xf32>
    %add3A_658 = arith.addf %add3A_654, %add3A_657 : vector<784x128xf32>
    %max3A_659 = arith.constant 0.000000e+00 : f32
    %max3A_660 = vector.broadcast %max3A_659 : f32 to vector<784x128xf32>
    %max3A_661 = arith.maximumf %add3A_658, %max3A_660 : vector<784x128xf32>
    %bitcast_convert_type3A_662 = tpu.bitcast %max3A_661 : vector<784x128xf32> -> vector<784x128xi32>
    %add3A_663 = arith.constant 32767 : i32
    %add3A_664 = vector.broadcast %add3A_663 : i32 to vector<784x128xi32>
    %add3A_665 = arith.addi %bitcast_convert_type3A_662, %add3A_664 : vector<784x128xi32>
    %shift_right_logical3A_666 = arith.constant 16 : i32
    %shift_right_logical3A_667 = vector.broadcast %shift_right_logical3A_666 : i32 to vector<784x128xi32>
    %shift_right_logical3A_668 = arith.shrui %bitcast_convert_type3A_662, %shift_right_logical3A_667 : vector<784x128xi32>
    %and3A_669 = arith.constant 1 : i32
    %and3A_670 = vector.broadcast %and3A_669 : i32 to vector<784x128xi32>
    %and3A_671 = arith.andi %shift_right_logical3A_668, %and3A_670 : vector<784x128xi32>
    %add3A_672 = arith.addi %add3A_665, %and3A_671 : vector<784x128xi32>
    %and3A_673 = arith.constant -65536 : i32
    %and3A_674 = vector.broadcast %and3A_673 : i32 to vector<784x128xi32>
    %and3A_675 = arith.andi %add3A_672, %and3A_674 : vector<784x128xi32>
    %bitcast_convert_type3A_676 = tpu.bitcast %and3A_675 : vector<784x128xi32> -> vector<784x128xf32>
    %get3A_677 = arith.constant 15 : index
    %get3A_678 = arith.constant 0 : index
    %get3A_679 = memref.load %arg7[%get3A_677, %get3A_678] : memref<16x1xf32, #tpu.memory_space<smem>>
    %mul3A_680 = vector.broadcast %get3A_679 : f32 to vector<784x128xf32>
    %mul3A_681 = arith.mulf %bitcast_convert_type3A_676, %mul3A_680 : vector<784x128xf32>
    %add3A_682 = arith.addf %add3A_643, %mul3A_681 : vector<784x128xf32>
    %mul3A_683 = arith.mulf %get3A_1, %add3A_682 : vector<784x128xf32>
    %swap3A = arith.constant 0 : index
    %swap3A_684 = arith.constant 0 : index
    %swap3A_685 = vector.load %arg8[%swap3A, %swap3A_684] : memref<784x128xf32, #tpu.memory_space<vmem>>, vector<784x128xf32>
    tpu.vector_store %arg8[%swap3A, %swap3A_684], %mul3A_683 {strides = array<i32>} : memref<784x128xf32, #tpu.memory_space<vmem>>, vector<784x128xf32>,
    return
  }
}

</mosaic_0001>

<sc_bundles>
// kernel: kernel.11.cloned.1.call-start
scs
__scs_entry_jumppad:
0x0: {  	(pc) =	sbr.rel $0x88, $3  }
0x1: {  	(tag) =	ssettag $0x0;
	lr =	simm.s32 $0x1  }
0x2: {  	[smem:$0x3F9B] =	sst lr;
	_ =	strace $0xD0000000  }
0x3: {  	_ = 	snop  }
0x4: {  	_ = 	snop  }
0x5: {  	_ = 	snop  }
0x6: {  	_ = 	snop  }
0x7: {  	_ = 	snop  }
__scs_overlays_trampoline_lowered:
0x8: {  	[smem:$0x3FAA] =	sst s0  }
0x9: {  	[smem:$0x3FAB] =	sst s1  }
0xa: {  	[smem:$0x3FAC] =	sst s2  }
0xb: {  	[smem:$0x3FAD] =	sst s3  }
0xc: {  	[smem:$0x3FAE] =	sst s4  }
0xd: {  	[smem:$0x3FAF] =	sst s5  }
0xe: {  	[smem:$0x3FB0] =	sst s6  }
0xf: {  	[smem:$0x3FB1] =	sst s7  }
0x10: {  	[smem:$0x3FB2] =	sst s8  }
0x11: {  	[smem:$0x3FB3] =	sst s9;
	s0 =	simm.s32 @!p0 $0x0  }
0x12: {  	s1 =	sld [smem:$0x3F99];
	s0 =	simm.s32 @p0 $0x1  }
0x13: {  	[smem:$0x3FB4] =	sst s0;
	s0 =	simm.s32 @!p1 $0x0  }
0x14: {  	s2 =	sld [smem:$0x3F98];
	s0 =	simm.s32 @p1 $0x1  }
0x15: {  	[smem:$0x3FB5] =	sst s0;
	s0 =	simm.s32 @!p2 $0x0  }
0x16: {  	s3 =	sld [smem:$0x3FDB];
	s0 =	simm.s32 @p2 $0x1  }
0x17: {  	s4 =	simm.s32 $0x1BF5;
	[smem:$0x3FB7] =	sst s0  }
0x18: {  	s0 =	sld [smem:$0x3F9A];
	_ =	swait.ge [sflag:s4], $0x0  }
0x19: {  	s7 =	sld [smem:$0x3F9B]  }
0x1a: {  	s8 =	sadd.s32 $0xFFFFE003, lr  }
0x1b: {  	s9 =	sadd.s32 $0xFFFFFEF7, lr;
	s5 =	simm.s32 $0xFFFFFFFF;
	p2 =	slt.u32 s8, $0xFFFFF086  }
0x1c: {  	p1 =	slt.u32 s9, $0xF7A;
	s5 =	simm.s32 @!p2 $0x0  }
0x1d: {  	s5 =	simm.s32 @p1 $0x1;
	p0 =	seq.s32 s7, s2  }
0x1e: {  	s7 =	smul.u32 @!p0 $0xF7A, s2;
	p2 =	seq.s32 @!p0 s5, $0x0  }
0x1f: {  	s9 =	smul.u32 $0xF7A, s1;
	s8 =	simm.s32 @!p0 $0x1BF5;
	p2 =	por !p2, p0  }
0x20: {  	[sflag:s8] =	ssyncset.s32 @!p0 $0xFFFFF086;
	s6 =	sadd.s32 @!p0 s3, s7;
	s7 =	simm.s32 @!p0 $0x108  }
0x21: {  	s3 =	sadd.s32 s3, s9;
	s6 =	sadd.s32 @!p0 $0x88, s6;
	s7 =	simm.s32 @p2 $0x1082  }
0x22: {  	[simem:s7], [sflag:s8] =	dma.local @!p0 [hbm:s6], $0xF7A  }
0x23: {  	s9 =	sor.u32 $0xD0000000, s2;
	s6 =	simm.s32 $0x108;
	_ =	swait.ge @!p0 [sflag:s8], $0x0  }
0x24: {  	s3 =	sadd.s32 $0x88, s3;
	s6 =	simm.s32 @!p1 $0x1082;
	[sflag:s4] =	ssyncset.s32 $0xFFFFF086  }
0x25: {  	[simem:s6], [sflag:s4] =	dma.local [hbm:s3], $0xF7A  }
0x26: {  	[smem:$0x3F9B] =	sst s1;
	(tag) =	ssettag s2;
	_ =	strace s9  }
0x27: {  	s1 =	sld [smem:$0x3FAB]  }
0x28: {  	s2 =	sld [smem:$0x3FAC]  }
0x29: {  	s4 =	sld [smem:$0x3FAE]  }
0x2a: {  	p0 =	seq.s32 s5, $0x0;
	s5 =	sld [smem:$0x3FAF]  }
0x2b: {  	s6 =	sld [smem:$0x3FB0]  }
0x2c: {  	s7 =	sld [smem:$0x3FB1]  }
0x2d: {  	s3 =	simm.s32 $0x108;
	s8 =	sld [smem:$0x3FB2]  }
0x2e: {  	s3 =	simm.s32 @!p0 $0x1082;
	s9 =	sld [smem:$0x3FB3]  }
0x2f: {  	lr =	sadd.s32 s0, s3;
	s0 =	sld [smem:$0x3FAA]  }
0x30: {  	s3 =	sld [smem:$0x3FAD]  }
0x31: {  	[smem:$0x3FB6] =	sst s10  }
0x32: {  	s10 =	sld [smem:$0x3FB4];
	_ =	sdelay $0x3  }
0x33: {  	p0 =	seq.s32 s10, $0x1;
	s10 =	sld [smem:$0x3FB6];
	_ =	sdelay $0x3  }
0x34: {  	[smem:$0x3FB6] =	sst s10  }
0x35: {  	s10 =	sld [smem:$0x3FB5];
	_ =	sdelay $0x3  }
0x36: {  	p1 =	seq.s32 s10, $0x1;
	s10 =	sld [smem:$0x3FB6];
	_ =	sdelay $0x3  }
0x37: {  	[smem:$0x3FB6] =	sst s10  }
0x38: {  	s10 =	sld [smem:$0x3FB7]  }
0x39: {  	_ = 	snop;
	(pc) =	sbr.ind lr, $3  }
0x3a: {  	_ = 	snop  }
0x3b: {  	_ = 	snop  }
0x3c: {  	p2 =	seq.s32 s10, $0x1;
	s10 =	sld [smem:$0x3FB6]  }
0x3d: {  	_ =	shalt  }
0x3e: {  	_ =	shalt  }
0x3f: {  	_ =	shalt  }
0x40: {  	_ =	shalt  }
0x41: {  	_ =	shalt  }
0x42: {  	_ =	shalt  }
0x43: {  	_ =	shalt  }
0x44: {  	_ =	shalt  }
0x45: {  	_ =	shalt  }
0x46: {  	_ =	shalt  }
0x47: {  	_ =	shalt  }
0x48: {  	_ =	shalt  }
0x49: {  	_ =	shalt  }
0x4a: {  	_ =	shalt  }
0x4b: {  	_ =	shalt  }
0x4c: {  	_ =	shalt  }
0x4d: {  	_ =	shalt  }
0x4e: {  	_ =	shalt  }
0x4f: {  	_ =	shalt  }
0x50: {  	_ =	shalt  }
0x51: {  	_ =	shalt  }
0x52: {  	_ =	shalt  }
0x53: {  	_ =	shalt  }
0x54: {  	_ =	shalt  }
0x55: {  	_ =	shalt  }
0x56: {  	_ =	shalt  }
0x57: {  	_ =	shalt  }
0x58: {  	_ =	shalt  }
0x59: {  	_ =	shalt  }
0x5a: {  	_ =	shalt  }
0x5b: {  	_ =	shalt  }
0x5c: {  	_ =	shalt  }
0x5d: {  	_ =	shalt  }
0x5e: {  	_ =	shalt  }
0x5f: {  	_ =	shalt  }
0x60: {  	_ =	shalt  }
0x61: {  	_ =	shalt  }
0x62: {  	_ =	shalt  }
0x63: {  	_ =	shalt  }
0x64: {  	_ =	shalt  }
0x65: {  	_ =	shalt  }
0x66: {  	_ =	shalt  }
0x67: {  	_ =	shalt  }
0x68: {  	_ =	shalt  }
0x69: {  	_ =	shalt  }
0x6a: {  	_ =	shalt  }
0x6b: {  	_ =	shalt  }
0x6c: {  	_ =	shalt  }
0x6d: {  	_ =	shalt  }
0x6e: {  	_ =	shalt  }
0x6f: {  	_ =	shalt  }
0x70: {  	_ =	shalt  }
0x71: {  	_ =	shalt  }
0x72: {  	_ =	shalt  }
0x73: {  	_ =	shalt  }
0x74: {  	_ =	shalt  }
0x75: {  	_ =	shalt  }
0x76: {  	_ =	shalt  }
0x77: {  	_ =	shalt  }
0x78: {  	_ =	shalt  }
0x79: {  	_ =	shalt  }
0x7a: {  	_ =	shalt  }
0x7b: {  	_ =	shalt  }
0x7c: {  	_ =	shalt  }
0x7d: {  	_ =	shalt  }
0x7e: {  	_ =	shalt  }
0x7f: {  	_ =	shalt  }
0x80: {  	_ =	shalt  }
0x81: {  	_ =	shalt  }
0x82: {  	_ =	shalt  }
0x83: {  	_ =	shalt  }
0x84: {  	_ =	shalt  }
0x85: {  	_ =	shalt  }
0x86: {  	_ =	shalt  }
0x87: {  	_ =	shalt  }
.Lfunc_end0:
.L_simem_size_0:
called_computation.1_lowered:
.L_overlay_start_0:
0x88: {  	s2 =	sld [smem:$0x3FD9]  }
0x89: {  	s3 =	sld [smem:$0x3FFE];
	_ =	sdelay $0x1  }
0x8a: {  	s1 =	srdreg.scid  }
0x8b: {  	s0 =	sand.u32 $0x1, s1  }
0x8c: {  	s16 =	sshll.u32 s0, $0xA;
	s2 =	sadd.s32 s3, s2  }
0x8d: {  	s2 =	sadd.s32 s2, s16  }
0x8e: {  	[smem:$0x3FC2] =	sst s2  }
0x8f: {  	_ = 	snop  }
0x90: {  	(tm) =	ssettm $0x1  }
0x91: {  	s17 =	sld [smem:$0x3FFB];
	_ =	sdelay $0x3  }
0x92: {  	_ =	strace s17  }
0x93: {  	s2 =	sld [smem:$0x3FFC];
	_ =	sdelay $0x3  }
0x94: {  	_ =	strace s2  }
0x95: {  	s2 =	sld [smem:$0x3FFD];
	_ =	sdelay $0x3  }
0x96: {  	_ =	strace s2  }
0x97: {  	_ =	strace $0x8FFFFFFF  }
0x98: {  	s18 =	sld [smem:$0x3FDB];
	_ =	sdelay $0x1  }
0x99: {  	s19 =	simm.s32 $_scs_section_size  }
0x9a: {  	s4 =	simm.s32 $_size__tile_overlayer_lowered;
	s5 =	simm.s32 $_tile_overlayer_lowered  }
0x9b: {  	s22 =	simm.s32 $0x1BFF;
	s21 =	sshll.u32 s5, $0x1;
	s2 =	sadd.s32 s19, s18  }
0x9c: {  	s6 =	simm.s32 $0x0;
	s20 =	sshll.u32 s4, $0x1;
	s4 =	sadd.s32 s21, s2  }
0x9d: {  	[timem:s6], [sflag:s22] =	dma.local [hbm:s4], s20  }
0x9e: {  	_ =	swait.ge [sflag:s22], s20  }
0x9f: {  	s3 =	ssub.s32 $0x0, s20;
	[sflag:s22] =	ssyncset.done $0x0  }
0xa0: {  	[sflag:s22] =	ssyncadd.s32 s3;
	_ =	sdelay $0x1  }
0xa1: {  	s23 =	simm.s32 $0x1B8B  }
0xa2: {  	_ =	swait.ge [sflag:s23], $0x1  }
0xa3: {  	[sflag:s23] =	ssyncset.done $0x0  }
0xa4: {  	s25 =	simm.s32 $0x1B8E;
	s24 =	sld [smem:$0x3FFE];
	[sflag:s23] =	ssyncadd.s32 $0xFFFFFFFF  }
0xa5: {  	s26 =	simm.s32 $execute0_lowered;
	[smem:$0x3FD2] =	sst s25  }
0xa6: {  	s4 =	sshll.u32 s26, $0x1;
	_ =	strace $0x80000049;
	[dreg:$0x1] =	wrdreg $0xFFFFFFFF  }
0xa7: {  	s28 =	simm.s32 $_size_execute0_lowered;
	s2 =	sadd.s32 s2, s4;
	[dreg:$0x0] =	wrdreg $0x0  }
0xa8: {  	s4 =	sshll.u32 s28, $0x1;
	[dreg:$0x2] =	wrdreg s2  }
0xa9: {  	[dreg:$0x3] =	wrdreg s4  }
0xaa: {  	[dreg:$0x4] =	wrdreg $0xC0  }
0xab: {  	_ =	task [dreg:s6], $0x5FFFF  }
0xac: {  	[dreg:$0x1] =	wrdreg $0xFFFFFFFF  }
0xad: {  	[dreg:$0x0] =	wrdreg $0x60  }
0xae: {  	[dreg:$0x2] =	wrdreg s24  }
0xaf: {  	[dreg:$0x3] =	wrdreg $0x1B9000  }
0xb0: {  	[dreg:$0x4] =	wrdreg $0x188000  }
0xb1: {  	[dreg:$0x5] =	wrdreg $0x1D1800  }
0xb2: {  	[dreg:$0x6] =	wrdreg $0x1A0800  }
0xb3: {  	[dreg:$0x7] =	wrdreg $0x9  }
0xb4: {  	_ =	task.clear_ibuf [dreg:s6], $0x8FFFF;
	_ =	strace $0x90000049  }
0xb5: {  	s29 =	simm.s32 $0x9;
	_ =	strace $0x8000004B  }
0xb6: {  	_ =	swait.ge [sflag:s29], $0x1  }
0xb7: {  	[sflag:s29] =	ssyncadd.s32 $0xFFFFFFFF  }
0xb8: {  	_ =	strace $0x9000004B  }
0xb9: {  	_ =	sfence  }
0xba: {  	s30 =	sld [smem:$0x0];
	_ =	sdelay $0x2  }
0xbb: {  	s31 =	sshll.u32 s1, $0xD;
	s1 =	sshrl.u32 s1, $0x2  }
0xbc: {  	s3 =	sand.u32 $0x4000, s31;
	s1 =	sadd.s32 s1, s30  }
0xbd: {  	s0 =	sor.u32 s3, s0;
	s1 =	sshll.u32 s1, $0x11  }
0xbe: {  	s0 =	sor.u32 s1, s0  }
0xbf: {  	s0 =	sadd.s32 $0x8F2B, s0  }
0xc0: {  	[sflag:s0] =	ssyncadd.remote.s32 $0x1  }
0xc1: {  	_ =	sfence.sel $0xFFFF  }
0xc2: {  	[dreg:$0x0] =	wrdreg $0xFFFFFFFF;
	(pc) =	sbr.abs _section_cstart, $3  }
0xc3: {  	[dreg:$0x1] =	wrdreg $0xFFFFFFFF  }
0xc4: {  	_ =	task.clear_ibuf [dreg:s6], $0x2FFFF;
	_ =	strace $0x9FFFFFFF  }
0xc5: {  	(tm) =	ssettm $0x7FFFFFFF  }
tec
execute0_lowered:
.L_overlay_start_1:
0x0: {  	(tag) =	ssettag $0x1  }
0x1: {  	s0 =	rddreg [dreg:$0x0]  }
0x2: {  	s2 =	rddreg [dreg:$0x1]  }
0x3: {  	s16 =	rddreg [dreg:$0x2]  }
0x4: {  	s1 =	rddreg [dreg:$0x3]  }
0x5: {  	s3 =	rddreg [dreg:$0x4]  }
0x6: {  	s28 =	rddreg [dreg:$0x5]  }
0x7: {  	s5 =	simm.s32 $0x0;
	s7 =	srdreg.scid;
	s10 =	stileid.u32  }
0x8: {  	s14 =	simm.s32 $0xC400;
	s13 =	simm.s32 $0x12600;
	p1 =	por $0x0, $0x0  }
0x9: {  	[smem:$0x7FF] =	sst s5;
	s6 =	sadd.s32 $0x6E000, s0;
	s8 =	sadd.s32 $0x2C00, s0  }
0xa: {  	s9 =	sadd.s32 $0x67E00, s0;
	s7 =	sand.u32 $0x1, s7;
	s23 =	sadd.s32 $0xD0000, s0  }
0xb: {  	s24 =	sadd.s32 $0x64C00, s0;
	p0 =	sne.s32 s10, $0x0;
	_ =	strace $0x8000004A  }
0xc: {  	[dreg:$0x6] =	wrdreg s9;
	s15 =	sshll.u32 s7, $0x4;
	s7 =	ssub.s32 $0x2, s7  }
0xd: {  	s30 =	sshrl.u32 @!p0 s16, $0x3;
	s29 =	sshrl.u32 @!p0 s3, $0x3;
	s12 =	sshrl.u32 s7, $0x1  }
0xe: {  	s11 =	sor.u32 s10, s15;
	s9 =	sadd.s32 s15, s0;
	s17 =	ssub.s32 s7, s12  }
0xf: {  	s15 =	sshrl.u32 @!p0 s2, $0x3;
	s11 =	smul.u32 $0x18800, s11;
	s0 =	smax.u32 s17, $0x1  }
0x10: {  	s31 =	sadd.s32 $0xD3200, s9;
	s7 =	sadd.s32 $0xD9400, s9;
	s0 =	sadd.s32 $0xFFFFFFFF, s0  }
0x11: {  	s12 =	simm.s32 $0x6200;
	s18 =	sshrl.u32 s11, $0x3;
	p2 =	sne.s32 s0, $0x0  }
.Ltmp0:
0x12: {  	s26 =	sadd.s32 s6, s18;
	s25 =	sadd.s32 s8, s18;
	(pc) =	sbr.rel @!p2 .LBB2_1-.Ltmp0, $4  }
0x13: {  	s11 =	sadd.s32 $0xC40, s18;
	s19 =	sadd.s32 $0x1880, s18;
	s9 =	sadd.s32 $0x24C0, s18  }
0x14: {  	s22 =	sadd.s32 s6, s11;
	s21 =	sadd.s32 s8, s11;
	s20 =	sadd.s32 s6, s19  }
0x15: {  	s19 =	sadd.s32 s8, s19;
	s18 =	sadd.s32 s6, s9;
	s17 =	sadd.s32 s8, s9  }
0x16: {  	s9 =	simm.s32 $0x1;
	s8 =	simm.s32 @!p0 $0x1;
	s11 =	sshrl.u32 @!p0 s1, $0x3  }
0x17: {  	s28 =	simm.s32 @!p0 $0x1C01  }
0x18: {  	[spmem:s15], [sflag:s28] =	dma.local @!p0 [hbm:s24], $0x3100  }
0x19: {  	_ =	swait.ge @!p0 [sflag:s8], $0x3100  }
0x1a: {  	[sflag:s8] =	ssyncset.done @!p0 $0x0  }
0x1b: {  	s10 =	rddreg [dreg:$0x6];
	[sflag:s8] =	ssyncadd.s32 @!p0 $0xFFFFCF00  }
0x1c: {  	[spmem:s30], [sflag:s28] =	dma.local @!p0 [hbm:s10], $0x3100  }
0x1d: {  	_ =	swait.ge @!p0 [sflag:s8], $0x3100  }
0x1e: {  	[sflag:s8] =	ssyncset.done @!p0 $0x0  }
0x1f: {  	[sflag:s8] =	ssyncadd.s32 @!p0 $0xFFFFCF00  }
0x20: {  	[spmem:s11], [sflag:s28] =	dma.local @!p0 [hbm:s24], $0x3100  }
0x21: {  	_ =	swait.ge @!p0 [sflag:s8], $0x3100  }
0x22: {  	[sflag:s8] =	ssyncset.done @!p0 $0x0  }
0x23: {  	[sflag:s8] =	ssyncadd.s32 @!p0 $0xFFFFCF00  }
0x24: {  	[spmem:s29], [sflag:s28] =	dma.local @!p0 [hbm:s23], $0x3100  }
0x25: {  	_ =	swait.ge @!p0 [sflag:s8], $0x3100  }
0x26: {  	[sflag:s8] =	ssyncset.done @!p0 $0x0  }
0x27: {  	[sflag:s8] =	ssyncadd.s32 @!p0 $0xFFFFCF00  }
0x28: {  	[bflag:$0x0] =	sbarrier.arrive $0xFFFF  }
0x29: {  	[tilespmem:s5], [sflag:$0x1] =	stream.linear.gather [hbm4b:s26+s5], $0x6200, $0x38;
	[tilespmem:$0x1EA00] =	vst v63  }
0x2a: {  	_ =	swait.ge [sflag:s9], $0x6200  }
0x2b: {  	[sflag:s9] =	ssyncset.done $0x0  }
0x2c: {  	[sflag:s9] =	ssyncadd.s32 $0xFFFF9E00  }
0x2d: {  	[tilespmem:s12], [sflag:$0x1] =	stream.linear.gather [hbm4b:s25+s5], $0x6200, $0x38;
	[tilespmem:$0x1EA00] =	vst v63  }
0x2e: {  	_ =	swait.ge [sflag:s9], $0x6200  }
0x2f: {  	[sflag:s9] =	ssyncset.done $0x0  }
0x30: {  	[sflag:s9] =	ssyncadd.s32 $0xFFFF9E00  }
0x31: {  	[tilespmem:s14], [sflag:$0x1] =	stream.indirect.gather [spmem:s16], $0x1, s5, s12, $0xb8;
	[tilespmem:$0x1EA00] =	vst v63  }
0x32: {  	_ =	swait.ge [sflag:s9], $0x6200  }
0x33: {  	[sflag:s9] =	ssyncset.done $0x0  }
0x34: {  	[sflag:s9] =	ssyncadd.s32 $0xFFFF9E00  }
0x35: {  	[tilespmem:s13], [sflag:$0x1] =	stream.indirect.gather [spmem:s3], $0x1, s5, s12, $0xb8;
	[tilespmem:$0x1EA00] =	vst v63  }
0x36: {  	_ =	swait.ge [sflag:s9], $0x6200  }
0x37: {  	[sflag:s9] =	ssyncset.done $0x0  }
0x38: {  	[sflag:s9] =	ssyncadd.s32 $0xFFFF9E00  }
0x39: {  	[spmem:s2] =	stream.indirect.scatter.add.f32 [tilespmem:s14], [sflag:$0x1], $0x1, s12, s12, $0xb8;
	[tilespmem:$0x1EA00] =	vst v63  }
0x3a: {  	_ =	swait.ge [sflag:s9], $0x6200  }
0x3b: {  	[sflag:s9] =	ssyncset.done $0x0  }
0x3c: {  	[sflag:s9] =	ssyncadd.s32 $0xFFFF9E00  }
0x3d: {  	[spmem:s1] =	stream.indirect.scatter.add.f32 [tilespmem:s13], [sflag:$0x1], $0x1, s12, s12, $0xb8;
	[tilespmem:$0x1EA00] =	vst v63  }
0x3e: {  	_ =	swait.ge [sflag:s9], $0x6200  }
0x3f: {  	[sflag:s9] =	ssyncset.done $0x0  }
0x40: {  	[sflag:s9] =	ssyncadd.s32 $0xFFFF9E00  }
0x41: {  	[tilespmem:s5], [sflag:$0x1] =	stream.linear.gather [hbm4b:s22+s5], $0x6200, $0x38;
	[tilespmem:$0x1EA00] =	vst v63  }
0x42: {  	_ =	swait.ge [sflag:s9], $0x6200  }
0x43: {  	[sflag:s9] =	ssyncset.done $0x0  }
0x44: {  	[sflag:s9] =	ssyncadd.s32 $0xFFFF9E00  }
0x45: {  	[tilespmem:s12], [sflag:$0x1] =	stream.linear.gather [hbm4b:s21+s5], $0x6200, $0x38;
	[tilespmem:$0x1EA00] =	vst v63  }
0x46: {  	_ =	swait.ge [sflag:s9], $0x6200  }
0x47: {  	[sflag:s9] =	ssyncset.done $0x0  }
0x48: {  	[sflag:s9] =	ssyncadd.s32 $0xFFFF9E00  }
0x49: {  	[tilespmem:s14], [sflag:$0x1] =	stream.indirect.gather [spmem:s16], $0x1, s5, s12, $0xb8;
	[tilespmem:$0x1EA00] =	vst v63  }
0x4a: {  	_ =	swait.ge [sflag:s9], $0x6200  }
0x4b: {  	[sflag:s9] =	ssyncset.done $0x0  }
0x4c: {  	[sflag:s9] =	ssyncadd.s32 $0xFFFF9E00  }
0x4d: {  	[tilespmem:s13], [sflag:$0x1] =	stream.indirect.gather [spmem:s3], $0x1, s5, s12, $0xb8;
	[tilespmem:$0x1EA00] =	vst v63  }
0x4e: {  	_ =	swait.ge [sflag:s9], $0x6200  }
0x4f: {  	[sflag:s9] =	ssyncset.done $0x0  }
0x50: {  	[sflag:s9] =	ssyncadd.s32 $0xFFFF9E00  }
0x51: {  	[spmem:s2] =	stream.indirect.scatter.add.f32 [tilespmem:s14], [sflag:$0x1], $0x1, s12, s12, $0xb8;
	[tilespmem:$0x1EA00] =	vst v63  }
0x52: {  	_ =	swait.ge [sflag:s9], $0x6200  }
0x53: {  	[sflag:s9] =	ssyncset.done $0x0  }
0x54: {  	[sflag:s9] =	ssyncadd.s32 $0xFFFF9E00  }
0x55: {  	[spmem:s1] =	stream.indirect.scatter.add.f32 [tilespmem:s13], [sflag:$0x1], $0x1, s12, s12, $0xb8;
	[tilespmem:$0x1EA00] =	vst v63  }
0x56: {  	_ =	swait.ge [sflag:s9], $0x6200  }
0x57: {  	[sflag:s9] =	ssyncset.done $0x0  }
0x58: {  	[sflag:s9] =	ssyncadd.s32 $0xFFFF9E00  }
0x59: {  	[tilespmem:s5], [sflag:$0x1] =	stream.linear.gather [hbm4b:s20+s5], $0x6200, $0x38;
	[tilespmem:$0x1EA00] =	vst v63  }
0x5a: {  	_ =	swait.ge [sflag:s9], $0x6200  }
0x5b: {  	[sflag:s9] =	ssyncset.done $0x0  }
0x5c: {  	[sflag:s9] =	ssyncadd.s32 $0xFFFF9E00  }
0x5d: {  	[tilespmem:s12], [sflag:$0x1] =	stream.linear.gather [hbm4b:s19+s5], $0x6200, $0x38;
	[tilespmem:$0x1EA00] =	vst v63  }
0x5e: {  	_ =	swait.ge [sflag:s9], $0x6200  }
0x5f: {  	[sflag:s9] =	ssyncset.done $0x0  }
0x60: {  	[sflag:s9] =	ssyncadd.s32 $0xFFFF9E00  }
0x61: {  	[tilespmem:s14], [sflag:$0x1] =	stream.indirect.gather [spmem:s16], $0x1, s5, s12, $0xb8;
	[tilespmem:$0x1EA00] =	vst v63  }
0x62: {  	_ =	swait.ge [sflag:s9], $0x6200  }
0x63: {  	[sflag:s9] =	ssyncset.done $0x0  }
0x64: {  	[sflag:s9] =	ssyncadd.s32 $0xFFFF9E00  }
0x65: {  	[tilespmem:s13], [sflag:$0x1] =	stream.indirect.gather [spmem:s3], $0x1, s5, s12, $0xb8;
	[tilespmem:$0x1EA00] =	vst v63  }
0x66: {  	_ =	swait.ge [sflag:s9], $0x6200  }
0x67: {  	[sflag:s9] =	ssyncset.done $0x0  }
0x68: {  	[sflag:s9] =	ssyncadd.s32 $0xFFFF9E00  }
0x69: {  	[spmem:s2] =	stream.indirect.scatter.add.f32 [tilespmem:s14], [sflag:$0x1], $0x1, s12, s12, $0xb8;
	[tilespmem:$0x1EA00] =	vst v63  }
0x6a: {  	_ =	swait.ge [sflag:s9], $0x6200  }
0x6b: {  	[sflag:s9] =	ssyncset.done $0x0  }
0x6c: {  	[sflag:s9] =	ssyncadd.s32 $0xFFFF9E00  }
0x6d: {  	[spmem:s1] =	stream.indirect.scatter.add.f32 [tilespmem:s13], [sflag:$0x1], $0x1, s12, s12, $0xb8;
	[tilespmem:$0x1EA00] =	vst v63  }
0x6e: {  	_ =	swait.ge [sflag:s9], $0x6200  }
0x6f: {  	[sflag:s9] =	ssyncset.done $0x0  }
0x70: {  	[sflag:s9] =	ssyncadd.s32 $0xFFFF9E00  }
0x71: {  	[tilespmem:s5], [sflag:$0x1] =	stream.linear.gather [hbm4b:s18+s5], $0x6200, $0x38;
	[tilespmem:$0x1EA00] =	vst v63  }
0x72: {  	_ =	swait.ge [sflag:s9], $0x6200  }
0x73: {  	[sflag:s9] =	ssyncset.done $0x0  }
0x74: {  	[sflag:s9] =	ssyncadd.s32 $0xFFFF9E00  }
0x75: {  	[tilespmem:s12], [sflag:$0x1] =	stream.linear.gather [hbm4b:s17+s5], $0x6200, $0x38;
	[tilespmem:$0x1EA00] =	vst v63  }
0x76: {  	_ =	swait.ge [sflag:s9], $0x6200  }
0x77: {  	[sflag:s9] =	ssyncset.done $0x0  }
0x78: {  	[sflag:s9] =	ssyncadd.s32 $0xFFFF9E00  }
0x79: {  	[tilespmem:s14], [sflag:$0x1] =	stream.indirect.gather [spmem:s16], $0x1, s5, s12, $0xb8;
	[tilespmem:$0x1EA00] =	vst v63  }
0x7a: {  	_ =	swait.ge [sflag:s9], $0x6200  }
0x7b: {  	[sflag:s9] =	ssyncset.done $0x0  }
0x7c: {  	[sflag:s9] =	ssyncadd.s32 $0xFFFF9E00  }
0x7d: {  	[tilespmem:s13], [sflag:$0x1] =	stream.indirect.gather [spmem:s3], $0x1, s5, s12, $0xb8;
	[tilespmem:$0x1EA00] =	vst v63  }
0x7e: {  	_ =	swait.ge [sflag:s9], $0x6200  }
0x7f: {  	[sflag:s9] =	ssyncset.done $0x0  }
0x80: {  	[sflag:s9] =	ssyncadd.s32 $0xFFFF9E00  }
0x81: {  	[spmem:s2] =	stream.indirect.scatter.add.f32 [tilespmem:s14], [sflag:$0x1], $0x1, s12, s12, $0xb8;
	[tilespmem:$0x1EA00] =	vst v63  }
0x82: {  	_ =	swait.ge [sflag:s9], $0x6200  }
0x83: {  	[sflag:s9] =	ssyncset.done $0x0  }
0x84: {  	[sflag:s9] =	ssyncadd.s32 $0xFFFF9E00  }
0x85: {  	[spmem:s1] =	stream.indirect.scatter.add.f32 [tilespmem:s13], [sflag:$0x1], $0x1, s12, s12, $0xb8;
	[tilespmem:$0x1EA00] =	vst v63  }
0x86: {  	_ =	swait.ge [sflag:s9], $0x6200  }
0x87: {  	[sflag:s9] =	ssyncset.done $0x0  }
0x88: {  	[sflag:s9] =	ssyncadd.s32 $0xFFFF9E00  }
0x89: {  	s6 =	simm.s32 @!p0 $0x10;
	s10 =	simm.s32 @!p0 $0x20;
	[bflag:$0x0] =	sbarrier.arrive $0xFFFF  }
0x8a: {  	[hbm:s31@s10], [sflag:s28] =	dma.strided @!p0 [spmem:s15@s6], $0x3100, s8, $0x10   }
0x8b: {  	_ =	swait.ge @!p0 [sflag:s8], $0x3100;
	[dreg:$0x7] =	wrdreg s31;
	s31 =	sadd.s32 $0xFFFFFFFF, s0  }
0x8c: {  	p2 =	sne.s32 s31, $0x0  }
.Ltmp1:
0x8d: {  	[sflag:s8] =	ssyncset.done @!p0 $0x0;
	(pc) =	sbr.rel @!p2 .LBB2_7-.Ltmp1, $4  }
0x8e: {  	p1 =	por $0x1, $0x1;
	[sflag:s8] =	ssyncadd.s32 @!p0 $0xFFFFCF00  }
0x8f: {  	[hbm:s7@s10], [sflag:s28] =	dma.strided @!p0 [spmem:s11@s6], $0x3100, s8, $0x10   }
0x90: {  	s0 =	simm.s32 @!p0 $0x1;
	_ =	swait.ge @!p0 [sflag:s8], $0x3100;
	[dreg:$0x9] =	wrdreg s17  }
0x91: {  	[dreg:$0x8] =	wrdreg s19;
	s19 =	simm.s32 @!p0 $0x1;
	[sflag:s8] =	ssyncset.done @!p0 $0x0  }
0x92: {  	s10 =	smov.u32 s15  }
.LBB2_4:
0x93: {  	[sflag:s0] =	ssyncadd.s32 @!p0 $0xFFFFCF00  }
0x94: {  	[spmem:s10], [sflag:s28] =	dma.local @!p0 [hbm:s24], $0x3100  }
0x95: {  	s0 =	smov.u32 s19;
	_ =	swait.ge @!p0 [sflag:s19], $0x3100  }
0x96: {  	[sflag:s0] =	ssyncset.done @!p0 $0x0  }
0x97: {  	s8 =	smov.u32 s7;
	s7 =	rddreg [dreg:$0x6];
	[sflag:s0] =	ssyncadd.s32 @!p0 $0xFFFFCF00  }
0x98: {  	[spmem:s30], [sflag:s28] =	dma.local @!p0 [hbm:s7], $0x3100  }
0x99: {  	_ =	swait.ge @!p0 [sflag:s0], $0x3100  }
0x9a: {  	[sflag:s0] =	ssyncset.done @!p0 $0x0  }
0x9b: {  	[sflag:s0] =	ssyncadd.s32 @!p0 $0xFFFFCF00  }
0x9c: {  	[spmem:s11], [sflag:s28] =	dma.local @!p0 [hbm:s24], $0x3100  }
0x9d: {  	_ =	swait.ge @!p0 [sflag:s0], $0x3100  }
0x9e: {  	[sflag:s0] =	ssyncset.done @!p0 $0x0  }
0x9f: {  	[sflag:s0] =	ssyncadd.s32 @!p0 $0xFFFFCF00  }
0xa0: {  	[spmem:s29], [sflag:s28] =	dma.local @!p0 [hbm:s23], $0x3100  }
0xa1: {  	_ =	swait.ge @!p0 [sflag:s0], $0x3100  }
0xa2: {  	[sflag:s0] =	ssyncset.done @!p0 $0x0  }
0xa3: {  	[sflag:s0] =	ssyncadd.s32 @!p0 $0xFFFFCF00  }
0xa4: {  	[bflag:$0x0] =	sbarrier.arrive $0xFFFF  }
0xa5: {  	[tilespmem:s5], [sflag:$0x1] =	stream.linear.gather [hbm4b:s26+s5], $0x6200, $0x38;
	[tilespmem:$0x1EA00] =	vst v63  }
0xa6: {  	_ =	swait.ge [sflag:s9], $0x6200  }
0xa7: {  	[sflag:s9] =	ssyncset.done $0x0  }
0xa8: {  	[sflag:s9] =	ssyncadd.s32 $0xFFFF9E00  }
0xa9: {  	[tilespmem:s12], [sflag:$0x1] =	stream.linear.gather [hbm4b:s25+s5], $0x6200, $0x38;
	[tilespmem:$0x1EA00] =	vst v63  }
0xaa: {  	_ =	swait.ge [sflag:s9], $0x6200  }
0xab: {  	[sflag:s9] =	ssyncset.done $0x0  }
0xac: {  	[sflag:s9] =	ssyncadd.s32 $0xFFFF9E00  }
0xad: {  	[tilespmem:s14], [sflag:$0x1] =	stream.indirect.gather [spmem:s16], $0x1, s5, s12, $0xb8;
	[tilespmem:$0x1EA00] =	vst v63  }
0xae: {  	_ =	swait.ge [sflag:s9], $0x6200  }
0xaf: {  	[sflag:s9] =	ssyncset.done $0x0  }
0xb0: {  	[sflag:s9] =	ssyncadd.s32 $0xFFFF9E00  }
0xb1: {  	[tilespmem:s13], [sflag:$0x1] =	stream.indirect.gather [spmem:s3], $0x1, s5, s12, $0xb8;
	[tilespmem:$0x1EA00] =	vst v63  }
0xb2: {  	_ =	swait.ge [sflag:s9], $0x6200  }
0xb3: {  	[sflag:s9] =	ssyncset.done $0x0  }
0xb4: {  	[sflag:s9] =	ssyncadd.s32 $0xFFFF9E00  }
0xb5: {  	[spmem:s2] =	stream.indirect.scatter.add.f32 [tilespmem:s14], [sflag:$0x1], $0x1, s12, s12, $0xb8;
	[tilespmem:$0x1EA00] =	vst v63  }
0xb6: {  	_ =	swait.ge [sflag:s9], $0x6200  }
0xb7: {  	[sflag:s9] =	ssyncset.done $0x0  }
0xb8: {  	[sflag:s9] =	ssyncadd.s32 $0xFFFF9E00  }
0xb9: {  	[spmem:s1] =	stream.indirect.scatter.add.f32 [tilespmem:s13], [sflag:$0x1], $0x1, s12, s12, $0xb8;
	[tilespmem:$0x1EA00] =	vst v63  }
0xba: {  	_ =	swait.ge [sflag:s9], $0x6200  }
0xbb: {  	[sflag:s9] =	ssyncset.done $0x0  }
0xbc: {  	[sflag:s9] =	ssyncadd.s32 $0xFFFF9E00  }
0xbd: {  	[tilespmem:s5], [sflag:$0x1] =	stream.linear.gather [hbm4b:s22+s5], $0x6200, $0x38;
	[tilespmem:$0x1EA00] =	vst v63  }
0xbe: {  	_ =	swait.ge [sflag:s9], $0x6200  }
0xbf: {  	[sflag:s9] =	ssyncset.done $0x0  }
0xc0: {  	[sflag:s9] =	ssyncadd.s32 $0xFFFF9E00  }
0xc1: {  	[tilespmem:s12], [sflag:$0x1] =	stream.linear.gather [hbm4b:s21+s5], $0x6200, $0x38;
	[tilespmem:$0x1EA00] =	vst v63  }
0xc2: {  	_ =	swait.ge [sflag:s9], $0x6200  }
0xc3: {  	[sflag:s9] =	ssyncset.done $0x0  }
0xc4: {  	[sflag:s9] =	ssyncadd.s32 $0xFFFF9E00  }
0xc5: {  	[tilespmem:s14], [sflag:$0x1] =	stream.indirect.gather [spmem:s16], $0x1, s5, s12, $0xb8;
	[tilespmem:$0x1EA00] =	vst v63  }
0xc6: {  	_ =	swait.ge [sflag:s9], $0x6200  }
0xc7: {  	[sflag:s9] =	ssyncset.done $0x0  }
0xc8: {  	[sflag:s9] =	ssyncadd.s32 $0xFFFF9E00  }
0xc9: {  	[tilespmem:s13], [sflag:$0x1] =	stream.indirect.gather [spmem:s3], $0x1, s5, s12, $0xb8;
	[tilespmem:$0x1EA00] =	vst v63  }
0xca: {  	_ =	swait.ge [sflag:s9], $0x6200  }
0xcb: {  	[sflag:s9] =	ssyncset.done $0x0  }
0xcc: {  	[sflag:s9] =	ssyncadd.s32 $0xFFFF9E00  }
0xcd: {  	[spmem:s2] =	stream.indirect.scatter.add.f32 [tilespmem:s14], [sflag:$0x1], $0x1, s12, s12, $0xb8;
	[tilespmem:$0x1EA00] =	vst v63  }
0xce: {  	_ =	swait.ge [sflag:s9], $0x6200  }
0xcf: {  	[sflag:s9] =	ssyncset.done $0x0  }
0xd0: {  	[sflag:s9] =	ssyncadd.s32 $0xFFFF9E00  }
0xd1: {  	[spmem:s1] =	stream.indirect.scatter.add.f32 [tilespmem:s13], [sflag:$0x1], $0x1, s12, s12, $0xb8;
	[tilespmem:$0x1EA00] =	vst v63  }
0xd2: {  	_ =	swait.ge [sflag:s9], $0x6200  }
0xd3: {  	[sflag:s9] =	ssyncset.done $0x0  }
0xd4: {  	[sflag:s9] =	ssyncadd.s32 $0xFFFF9E00  }
0xd5: {  	[tilespmem:s5], [sflag:$0x1] =	stream.linear.gather [hbm4b:s20+s5], $0x6200, $0x38;
	[tilespmem:$0x1EA00] =	vst v63  }
0xd6: {  	_ =	swait.ge [sflag:s9], $0x6200  }
0xd7: {  	[sflag:s9] =	ssyncset.done $0x0  }
0xd8: {  	s6 =	rddreg [dreg:$0x8];
	[sflag:s9] =	ssyncadd.s32 $0xFFFF9E00  }
0xd9: {  	[tilespmem:s12], [sflag:$0x1] =	stream.linear.gather [hbm4b:s6+s5], $0x6200, $0x38;
	[tilespmem:$0x1EA00] =	vst v63  }
0xda: {  	_ =	swait.ge [sflag:s9], $0x6200  }
0xdb: {  	[sflag:s9] =	ssyncset.done $0x0  }
0xdc: {  	[sflag:s9] =	ssyncadd.s32 $0xFFFF9E00  }
0xdd: {  	[tilespmem:s14], [sflag:$0x1] =	stream.indirect.gather [spmem:s16], $0x1, s5, s12, $0xb8;
	[tilespmem:$0x1EA00] =	vst v63  }
0xde: {  	_ =	swait.ge [sflag:s9], $0x6200  }
0xdf: {  	[sflag:s9] =	ssyncset.done $0x0  }
0xe0: {  	[sflag:s9] =	ssyncadd.s32 $0xFFFF9E00  }
0xe1: {  	[tilespmem:s13], [sflag:$0x1] =	stream.indirect.gather [spmem:s3], $0x1, s5, s12, $0xb8;
	[tilespmem:$0x1EA00] =	vst v63  }
0xe2: {  	_ =	swait.ge [sflag:s9], $0x6200  }
0xe3: {  	[sflag:s9] =	ssyncset.done $0x0  }
0xe4: {  	[sflag:s9] =	ssyncadd.s32 $0xFFFF9E00  }
0xe5: {  	[spmem:s2] =	stream.indirect.scatter.add.f32 [tilespmem:s14], [sflag:$0x1], $0x1, s12, s12, $0xb8;
	[tilespmem:$0x1EA00] =	vst v63  }
0xe6: {  	_ =	swait.ge [sflag:s9], $0x6200  }
0xe7: {  	[sflag:s9] =	ssyncset.done $0x0  }
0xe8: {  	[sflag:s9] =	ssyncadd.s32 $0xFFFF9E00  }
0xe9: {  	[spmem:s1] =	stream.indirect.scatter.add.f32 [tilespmem:s13], [sflag:$0x1], $0x1, s12, s12, $0xb8;
	[tilespmem:$0x1EA00] =	vst v63  }
0xea: {  	_ =	swait.ge [sflag:s9], $0x6200  }
0xeb: {  	[sflag:s9] =	ssyncset.done $0x0  }
0xec: {  	[sflag:s9] =	ssyncadd.s32 $0xFFFF9E00  }
0xed: {  	[tilespmem:s5], [sflag:$0x1] =	stream.linear.gather [hbm4b:s18+s5], $0x6200, $0x38;
	[tilespmem:$0x1EA00] =	vst v63  }
0xee: {  	_ =	swait.ge [sflag:s9], $0x6200  }
0xef: {  	[sflag:s9] =	ssyncset.done $0x0  }
0xf0: {  	s17 =	rddreg [dreg:$0x9];
	[sflag:s9] =	ssyncadd.s32 $0xFFFF9E00  }
0xf1: {  	[tilespmem:s12], [sflag:$0x1] =	stream.linear.gather [hbm4b:s17+s5], $0x6200, $0x38;
	[tilespmem:$0x1EA00] =	vst v63  }
0xf2: {  	_ =	swait.ge [sflag:s9], $0x6200  }
0xf3: {  	[sflag:s9] =	ssyncset.done $0x0  }
0xf4: {  	[sflag:s9] =	ssyncadd.s32 $0xFFFF9E00  }
0xf5: {  	[tilespmem:s14], [sflag:$0x1] =	stream.indirect.gather [spmem:s16], $0x1, s5, s12, $0xb8;
	[tilespmem:$0x1EA00] =	vst v63  }
0xf6: {  	_ =	swait.ge [sflag:s9], $0x6200  }
0xf7: {  	[sflag:s9] =	ssyncset.done $0x0  }
0xf8: {  	[sflag:s9] =	ssyncadd.s32 $0xFFFF9E00  }
0xf9: {  	[tilespmem:s13], [sflag:$0x1] =	stream.indirect.gather [spmem:s3], $0x1, s5, s12, $0xb8;
	[tilespmem:$0x1EA00] =	vst v63  }
0xfa: {  	_ =	swait.ge [sflag:s9], $0x6200  }
0xfb: {  	[sflag:s9] =	ssyncset.done $0x0  }
0xfc: {  	[sflag:s9] =	ssyncadd.s32 $0xFFFF9E00  }
0xfd: {  	[spmem:s2] =	stream.indirect.scatter.add.f32 [tilespmem:s14], [sflag:$0x1], $0x1, s12, s12, $0xb8;
	[tilespmem:$0x1EA00] =	vst v63  }
0xfe: {  	_ =	swait.ge [sflag:s9], $0x6200  }
0xff: {  	[sflag:s9] =	ssyncset.done $0x0  }
0x100: {  	[sflag:s9] =	ssyncadd.s32 $0xFFFF9E00  }
0x101: {  	[spmem:s1] =	stream.indirect.scatter.add.f32 [tilespmem:s13], [sflag:$0x1], $0x1, s12, s12, $0xb8;
	[tilespmem:$0x1EA00] =	vst v63  }
0x102: {  	_ =	swait.ge [sflag:s9], $0x6200  }
0x103: {  	[sflag:s9] =	ssyncset.done $0x0  }
0x104: {  	[sflag:s9] =	ssyncadd.s32 $0xFFFF9E00  }
0x105: {  	s31 =	sadd.s32 $0xFFFFFFFF, s31;
	s4 =	smov.u32 s3;
	[bflag:$0x0] =	sbarrier.arrive $0xFFFF  }
0x106: {  	s6 =	simm.s32 @!p0 $0x20;
	s17 =	simm.s32 @!p0 $0x10;
	s3 =	rddreg [dreg:$0x7]  }
0x107: {  	[hbm:s3@s6], [sflag:s28] =	dma.strided @!p0 [spmem:s10@s17], $0x3100, s0, $0x10   }
0x108: {  	p2 =	sne.s32 s31, $0x0;
	_ =	swait.ge @!p0 [sflag:s0], $0x3100  }
.Ltmp2:
0x109: {  	[sflag:s0] =	ssyncset.done @!p0 $0x0;
	(pc) =	sbr.rel @p2 .LBB2_4-.Ltmp2, $4  }
0x10a: {  	[sflag:s0] =	ssyncadd.s32 @!p0 $0xFFFFCF00  }
0x10b: {  	[hbm:s8@s6], [sflag:s28] =	dma.strided @!p0 [spmem:s11@s17], $0x3100, s0, $0x10   }
0x10c: {  	s7 =	smov.u32 s8;
	_ =	swait.ge @!p0 [sflag:s0], $0x3100  }
0x10d: {  	s3 =	smov.u32 s4;
	s10 =	smov.u32 s15;
	[sflag:s0] =	ssyncset.done @!p0 $0x0  }
0x10e: {  	s28 =	rddreg [dreg:$0x5]  }
0x10f: {  	s31 =	rddreg [dreg:$0x7]  }
0x110: {  	s17 =	rddreg [dreg:$0x9]  }
0x111: {  	s15 =	smov.u32 s10;
	s19 =	rddreg [dreg:$0x8]  }
.LBB2_6:
0x112: {  	p1 =	por p0, !p1  }
0x113: {  	s6 =	simm.s32 @!p0 $0x1;
	[sflag:s0] =	ssyncadd.s32 @!p1 $0xFFFFCF00;
	s0 =	simm.s32 @!p0 $0x1C01  }
0x114: {  	[spmem:s15], [sflag:s0] =	dma.local @!p0 [hbm:s24], $0x3100  }
0x115: {  	_ =	swait.ge @!p0 [sflag:s6], $0x3100  }
0x116: {  	[sflag:s6] =	ssyncset.done @!p0 $0x0  }
0x117: {  	s7 =	rddreg [dreg:$0x6];
	[sflag:s6] =	ssyncadd.s32 @!p0 $0xFFFFCF00  }
0x118: {  	[spmem:s30], [sflag:s0] =	dma.local @!p0 [hbm:s7], $0x3100  }
0x119: {  	_ =	swait.ge @!p0 [sflag:s6], $0x3100  }
0x11a: {  	[sflag:s6] =	ssyncset.done @!p0 $0x0  }
0x11b: {  	[sflag:s6] =	ssyncadd.s32 @!p0 $0xFFFFCF00  }
0x11c: {  	[spmem:s11], [sflag:s0] =	dma.local @!p0 [hbm:s24], $0x3100  }
0x11d: {  	_ =	swait.ge @!p0 [sflag:s6], $0x3100  }
0x11e: {  	[sflag:s6] =	ssyncset.done @!p0 $0x0  }
0x11f: {  	[sflag:s6] =	ssyncadd.s32 @!p0 $0xFFFFCF00  }
0x120: {  	[spmem:s29], [sflag:s0] =	dma.local @!p0 [hbm:s23], $0x3100  }
0x121: {  	_ =	swait.ge @!p0 [sflag:s6], $0x3100  }
0x122: {  	[sflag:s6] =	ssyncset.done @!p0 $0x0  }
0x123: {  	[sflag:s6] =	ssyncadd.s32 @!p0 $0xFFFFCF00  }
0x124: {  	[bflag:$0x0] =	sbarrier.arrive $0xFFFF  }
0x125: {  	[tilespmem:s5], [sflag:$0x1] =	stream.linear.gather [hbm4b:s26+s5], $0x6200, $0x38;
	[tilespmem:$0x1EA00] =	vst v63  }
0x126: {  	_ =	swait.ge [sflag:s9], $0x6200  }
0x127: {  	[sflag:s9] =	ssyncset.done $0x0  }
0x128: {  	[sflag:s9] =	ssyncadd.s32 $0xFFFF9E00  }
0x129: {  	[tilespmem:s12], [sflag:$0x1] =	stream.linear.gather [hbm4b:s25+s5], $0x6200, $0x38;
	[tilespmem:$0x1EA00] =	vst v63  }
0x12a: {  	_ =	swait.ge [sflag:s9], $0x6200  }
0x12b: {  	[sflag:s9] =	ssyncset.done $0x0  }
0x12c: {  	[sflag:s9] =	ssyncadd.s32 $0xFFFF9E00  }
0x12d: {  	[tilespmem:s14], [sflag:$0x1] =	stream.indirect.gather [spmem:s16], $0x1, s5, s12, $0xb8;
	[tilespmem:$0x1EA00] =	vst v63  }
0x12e: {  	_ =	swait.ge [sflag:s9], $0x6200  }
0x12f: {  	[sflag:s9] =	ssyncset.done $0x0  }
0x130: {  	[sflag:s9] =	ssyncadd.s32 $0xFFFF9E00  }
0x131: {  	[tilespmem:s13], [sflag:$0x1] =	stream.indirect.gather [spmem:s3], $0x1, s5, s12, $0xb8;
	[tilespmem:$0x1EA00] =	vst v63  }
0x132: {  	_ =	swait.ge [sflag:s9], $0x6200  }
0x133: {  	[sflag:s9] =	ssyncset.done $0x0  }
0x134: {  	[sflag:s9] =	ssyncadd.s32 $0xFFFF9E00  }
0x135: {  	[spmem:s2] =	stream.indirect.scatter.add.f32 [tilespmem:s14], [sflag:$0x1], $0x1, s12, s12, $0xb8;
	[tilespmem:$0x1EA00] =	vst v63  }
0x136: {  	_ =	swait.ge [sflag:s9], $0x6200  }
0x137: {  	[sflag:s9] =	ssyncset.done $0x0  }
0x138: {  	[sflag:s9] =	ssyncadd.s32 $0xFFFF9E00  }
0x139: {  	[spmem:s1] =	stream.indirect.scatter.add.f32 [tilespmem:s13], [sflag:$0x1], $0x1, s12, s12, $0xb8;
	[tilespmem:$0x1EA00] =	vst v63  }
0x13a: {  	_ =	swait.ge [sflag:s9], $0x6200  }
0x13b: {  	[sflag:s9] =	ssyncset.done $0x0  }
0x13c: {  	[sflag:s9] =	ssyncadd.s32 $0xFFFF9E00  }
0x13d: {  	[tilespmem:s5], [sflag:$0x1] =	stream.linear.gather [hbm4b:s22+s5], $0x6200, $0x38;
	[tilespmem:$0x1EA00] =	vst v63  }
0x13e: {  	_ =	swait.ge [sflag:s9], $0x6200  }
0x13f: {  	[sflag:s9] =	ssyncset.done $0x0  }
0x140: {  	[sflag:s9] =	ssyncadd.s32 $0xFFFF9E00  }
0x141: {  	[tilespmem:s12], [sflag:$0x1] =	stream.linear.gather [hbm4b:s21+s5], $0x6200, $0x38;
	[tilespmem:$0x1EA00] =	vst v63  }
0x142: {  	_ =	swait.ge [sflag:s9], $0x6200  }
0x143: {  	[sflag:s9] =	ssyncset.done $0x0  }
0x144: {  	[sflag:s9] =	ssyncadd.s32 $0xFFFF9E00  }
0x145: {  	[tilespmem:s14], [sflag:$0x1] =	stream.indirect.gather [spmem:s16], $0x1, s5, s12, $0xb8;
	[tilespmem:$0x1EA00] =	vst v63  }
0x146: {  	_ =	swait.ge [sflag:s9], $0x6200  }
0x147: {  	[sflag:s9] =	ssyncset.done $0x0  }
0x148: {  	[sflag:s9] =	ssyncadd.s32 $0xFFFF9E00  }
0x149: {  	[tilespmem:s13], [sflag:$0x1] =	stream.indirect.gather [spmem:s3], $0x1, s5, s12, $0xb8;
	[tilespmem:$0x1EA00] =	vst v63  }
0x14a: {  	_ =	swait.ge [sflag:s9], $0x6200  }
0x14b: {  	[sflag:s9] =	ssyncset.done $0x0  }
0x14c: {  	[sflag:s9] =	ssyncadd.s32 $0xFFFF9E00  }
0x14d: {  	[spmem:s2] =	stream.indirect.scatter.add.f32 [tilespmem:s14], [sflag:$0x1], $0x1, s12, s12, $0xb8;
	[tilespmem:$0x1EA00] =	vst v63  }
0x14e: {  	_ =	swait.ge [sflag:s9], $0x6200  }
0x14f: {  	[sflag:s9] =	ssyncset.done $0x0  }
0x150: {  	[sflag:s9] =	ssyncadd.s32 $0xFFFF9E00  }
0x151: {  	[spmem:s1] =	stream.indirect.scatter.add.f32 [tilespmem:s13], [sflag:$0x1], $0x1, s12, s12, $0xb8;
	[tilespmem:$0x1EA00] =	vst v63  }
0x152: {  	_ =	swait.ge [sflag:s9], $0x6200  }
0x153: {  	[sflag:s9] =	ssyncset.done $0x0  }
0x154: {  	[sflag:s9] =	ssyncadd.s32 $0xFFFF9E00  }
0x155: {  	[tilespmem:s5], [sflag:$0x1] =	stream.linear.gather [hbm4b:s20+s5], $0x6200, $0x38;
	[tilespmem:$0x1EA00] =	vst v63  }
0x156: {  	_ =	swait.ge [sflag:s9], $0x6200  }
0x157: {  	[sflag:s9] =	ssyncset.done $0x0  }
0x158: {  	[sflag:s9] =	ssyncadd.s32 $0xFFFF9E00  }
0x159: {  	[tilespmem:s12], [sflag:$0x1] =	stream.linear.gather [hbm4b:s19+s5], $0x6200, $0x38;
	[tilespmem:$0x1EA00] =	vst v63  }
0x15a: {  	_ =	swait.ge [sflag:s9], $0x6200  }
0x15b: {  	[sflag:s9] =	ssyncset.done $0x0  }
0x15c: {  	[sflag:s9] =	ssyncadd.s32 $0xFFFF9E00  }
0x15d: {  	[tilespmem:s14], [sflag:$0x1] =	stream.indirect.gather [spmem:s16], $0x1, s5, s12, $0xb8;
	[tilespmem:$0x1EA00] =	vst v63  }
0x15e: {  	_ =	swait.ge [sflag:s9], $0x6200  }
0x15f: {  	[sflag:s9] =	ssyncset.done $0x0  }
0x160: {  	[sflag:s9] =	ssyncadd.s32 $0xFFFF9E00  }
0x161: {  	[tilespmem:s13], [sflag:$0x1] =	stream.indirect.gather [spmem:s3], $0x1, s5, s12, $0xb8;
	[tilespmem:$0x1EA00] =	vst v63  }
0x162: {  	_ =	swait.ge [sflag:s9], $0x6200  }
0x163: {  	[sflag:s9] =	ssyncset.done $0x0  }
0x164: {  	[sflag:s9] =	ssyncadd.s32 $0xFFFF9E00  }
0x165: {  	[spmem:s2] =	stream.indirect.scatter.add.f32 [tilespmem:s14], [sflag:$0x1], $0x1, s12, s12, $0xb8;
	[tilespmem:$0x1EA00] =	vst v63  }
0x166: {  	_ =	swait.ge [sflag:s9], $0x6200  }
0x167: {  	[sflag:s9] =	ssyncset.done $0x0  }
0x168: {  	[sflag:s9] =	ssyncadd.s32 $0xFFFF9E00  }
0x169: {  	[spmem:s1] =	stream.indirect.scatter.add.f32 [tilespmem:s13], [sflag:$0x1], $0x1, s12, s12, $0xb8;
	[tilespmem:$0x1EA00] =	vst v63  }
0x16a: {  	_ =	swait.ge [sflag:s9], $0x6200  }
0x16b: {  	[sflag:s9] =	ssyncset.done $0x0  }
0x16c: {  	[sflag:s9] =	ssyncadd.s32 $0xFFFF9E00  }
0x16d: {  	[tilespmem:s5], [sflag:$0x1] =	stream.linear.gather [hbm4b:s18+s5], $0x6200, $0x38;
	[tilespmem:$0x1EA00] =	vst v63  }
0x16e: {  	_ =	swait.ge [sflag:s9], $0x6200  }
0x16f: {  	[sflag:s9] =	ssyncset.done $0x0  }
0x170: {  	[sflag:s9] =	ssyncadd.s32 $0xFFFF9E00  }
0x171: {  	[tilespmem:s12], [sflag:$0x1] =	stream.linear.gather [hbm4b:s17+s5], $0x6200, $0x38;
	[tilespmem:$0x1EA00] =	vst v63  }
0x172: {  	_ =	swait.ge [sflag:s9], $0x6200  }
0x173: {  	[sflag:s9] =	ssyncset.done $0x0  }
0x174: {  	[sflag:s9] =	ssyncadd.s32 $0xFFFF9E00  }
0x175: {  	[tilespmem:s14], [sflag:$0x1] =	stream.indirect.gather [spmem:s16], $0x1, s5, s12, $0xb8;
	[tilespmem:$0x1EA00] =	vst v63  }
0x176: {  	_ =	swait.ge [sflag:s9], $0x6200  }
0x177: {  	[sflag:s9] =	ssyncset.done $0x0  }
0x178: {  	[sflag:s9] =	ssyncadd.s32 $0xFFFF9E00  }
0x179: {  	[tilespmem:s13], [sflag:$0x1] =	stream.indirect.gather [spmem:s3], $0x1, s5, s12, $0xb8;
	[tilespmem:$0x1EA00] =	vst v63  }
0x17a: {  	_ =	swait.ge [sflag:s9], $0x6200  }
0x17b: {  	[sflag:s9] =	ssyncset.done $0x0  }
0x17c: {  	[sflag:s9] =	ssyncadd.s32 $0xFFFF9E00  }
0x17d: {  	[spmem:s2] =	stream.indirect.scatter.add.f32 [tilespmem:s14], [sflag:$0x1], $0x1, s12, s12, $0xb8;
	[tilespmem:$0x1EA00] =	vst v63  }
0x17e: {  	_ =	swait.ge [sflag:s9], $0x6200  }
0x17f: {  	[sflag:s9] =	ssyncset.done $0x0  }
0x180: {  	[sflag:s9] =	ssyncadd.s32 $0xFFFF9E00  }
0x181: {  	[spmem:s1] =	stream.indirect.scatter.add.f32 [tilespmem:s13], [sflag:$0x1], $0x1, s12, s12, $0xb8;
	[tilespmem:$0x1EA00] =	vst v63  }
0x182: {  	_ =	swait.ge [sflag:s9], $0x6200  }
0x183: {  	[sflag:s9] =	ssyncset.done $0x0  }
0x184: {  	[sflag:s9] =	ssyncadd.s32 $0xFFFF9E00  }
0x185: {  	s2 =	simm.s32 @!p0 $0x10;
	s1 =	simm.s32 @!p0 $0x20;
	[bflag:$0x0] =	sbarrier.arrive $0xFFFF  }
0x186: {  	[hbm:s31@s1], [sflag:s0] =	dma.strided @!p0 [spmem:s15@s2], $0x3100, s6, $0x10   }
0x187: {  	_ =	swait.ge @!p0 [sflag:s6], $0x3100  }
0x188: {  	[sflag:s6] =	ssyncset.done @!p0 $0x0  }
0x189: {  	[sflag:s6] =	ssyncadd.s32 @!p0 $0xFFFFCF00  }
0x18a: {  	[hbm:s8@s1], [sflag:s0] =	dma.strided @!p0 [spmem:s11@s2], $0x3100, s6, $0x10   }
0x18b: {  	_ =	swait.ge @!p0 [sflag:s6], $0x3100  }
0x18c: {  	[sflag:s6] =	ssyncset.done @!p0 $0x0  }
0x18d: {  	[sflag:s6] =	ssyncadd.s32 @!p0 $0xFFFFCF00  }
0x18e: {  	_ =	sfence.sel $0x180000  }
0x18f: {  	[bflag:$0x0] =	sbarrier.arrive $0xFFFF  }
0x190: {  	_ =	strace $0x9000004A  }
0x191: {  	s0 =	sadd.s32 @!p0 $0x100000, s28;
	[bflag:$0x2] =	sbarrier.arrive $0xFFFF  }
0x192: {  	[sflag:s0] =	ssyncadd.tile.s32 @!p0 $0x1;
	_ =	shalt  }
.LBB2_1:
.Ltmp3:
0x193: {  	(pc) =	sbr.rel .LBB2_6-.Ltmp3, $2  }
0x194: {  	_ =	sdelay $0x2  }
0x195: {  	s8 =	smov.u32 s7  }
.LBB2_7:
.Ltmp4:
0x196: {  	(pc) =	sbr.rel .LBB2_6-.Ltmp4, $4  }
0x197: {  	s28 =	rddreg [dreg:$0x5]  }
0x198: {  	s31 =	rddreg [dreg:$0x7]  }
0x199: {  	s17 =	rddreg [dreg:$0x9]  }
0x19a: {  	s8 =	smov.u32 s7;
	s0 =	simm.s32 @!p0 $0x1;
	s19 =	rddreg [dreg:$0x8]  }
.Lfunc_end2:
_tile_overlayer_lowered:
.L_overlay_start_2:
0x19b: {  	(tag) =	ssettag $0x2  }
0x19c: {  	s0 =	rddreg [dreg:$0x0];
	s2 =	stileid.u32  }
0x19d: {  	s1 =	rddreg [dreg:$0x1];
	p0 =	sne.s32 s2, $0x0  }
0x19e: {  	s3 =	rddreg [dreg:$0x2];
	[bflag:$0x3] =	sbarrier.arrive $0xFFFF;
	s2 =	simm.s32 @!p0 $0x1C01  }
0x19f: {  	[timem:s3], [sflag:s2] =	dma.local @!p0 [hbm:s0], s1  }
0x1a0: {  	s0 =	simm.s32 @!p0 $0x1  }
0x1a1: {  	_ =	swait.ge @!p0 [sflag:s0], s1  }
0x1a2: {  	s1 =	ssub.s32 @!p0 $0x0, s1;
	[sflag:s0] =	ssyncset.done @!p0 $0x0  }
0x1a3: {  	[sflag:s0] =	ssyncadd.s32 @!p0 s1  }
0x1a4: {  	[bflag:$0x3] =	sbarrier.arrive $0xFFFF  }
0x1a5: {  	_ =	shalt  }

// kernel: kernel.14.cloned.1.call-start
scs
__scs_entry_jumppad:
0x0: {  	(pc) =	sbr.rel $0x88, $3  }
0x1: {  	(tag) =	ssettag $0x0;
	lr =	simm.s32 $0x1  }
0x2: {  	[smem:$0x3F9B] =	sst lr;
	_ =	strace $0xD0000000  }
0x3: {  	_ = 	snop  }
0x4: {  	_ = 	snop  }
0x5: {  	_ = 	snop  }
0x6: {  	_ = 	snop  }
0x7: {  	_ = 	snop  }
__scs_overlays_trampoline_lowered:
0x8: {  	[smem:$0x3FAA] =	sst s0  }
0x9: {  	[smem:$0x3FAB] =	sst s1  }
0xa: {  	[smem:$0x3FAC] =	sst s2  }
0xb: {  	[smem:$0x3FAD] =	sst s3  }
0xc: {  	[smem:$0x3FAE] =	sst s4  }
0xd: {  	[smem:$0x3FAF] =	sst s5  }
0xe: {  	[smem:$0x3FB0] =	sst s6  }
0xf: {  	[smem:$0x3FB1] =	sst s7  }
0x10: {  	[smem:$0x3FB2] =	sst s8  }
0x11: {  	[smem:$0x3FB3] =	sst s9;
	s0 =	simm.s32 @!p0 $0x0  }
0x12: {  	s1 =	sld [smem:$0x3F99];
	s0 =	simm.s32 @p0 $0x1  }
0x13: {  	[smem:$0x3FB4] =	sst s0;
	s0 =	simm.s32 @!p1 $0x0  }
0x14: {  	s2 =	sld [smem:$0x3F98];
	s0 =	simm.s32 @p1 $0x1  }
0x15: {  	[smem:$0x3FB5] =	sst s0;
	s0 =	simm.s32 @!p2 $0x0  }
0x16: {  	s3 =	sld [smem:$0x3FDB];
	s0 =	simm.s32 @p2 $0x1  }
0x17: {  	s4 =	simm.s32 $0x1BF5;
	[smem:$0x3FB7] =	sst s0  }
0x18: {  	s0 =	sld [smem:$0x3F9A];
	_ =	swait.ge [sflag:s4], $0x0  }
0x19: {  	s7 =	sld [smem:$0x3F9B]  }
0x1a: {  	s8 =	sadd.s32 $0xFFFFE003, lr  }
0x1b: {  	s9 =	sadd.s32 $0xFFFFFEF7, lr;
	s5 =	simm.s32 $0xFFFFFFFF;
	p2 =	slt.u32 s8, $0xFFFFF086  }
0x1c: {  	p1 =	slt.u32 s9, $0xF7A;
	s5 =	simm.s32 @!p2 $0x0  }
0x1d: {  	s5 =	simm.s32 @p1 $0x1;
	p0 =	seq.s32 s7, s2  }
0x1e: {  	s7 =	smul.u32 @!p0 $0xF7A, s2;
	p2 =	seq.s32 @!p0 s5, $0x0  }
0x1f: {  	s9 =	smul.u32 $0xF7A, s1;
	s8 =	simm.s32 @!p0 $0x1BF5;
	p2 =	por !p2, p0  }
0x20: {  	[sflag:s8] =	ssyncset.s32 @!p0 $0xFFFFF086;
	s6 =	sadd.s32 @!p0 s3, s7;
	s7 =	simm.s32 @!p0 $0x108  }
0x21: {  	s3 =	sadd.s32 s3, s9;
	s6 =	sadd.s32 @!p0 $0x88, s6;
	s7 =	simm.s32 @p2 $0x1082  }
0x22: {  	[simem:s7], [sflag:s8] =	dma.local @!p0 [hbm:s6], $0xF7A  }
0x23: {  	s9 =	sor.u32 $0xD0000000, s2;
	s6 =	simm.s32 $0x108;
	_ =	swait.ge @!p0 [sflag:s8], $0x0  }
0x24: {  	s3 =	sadd.s32 $0x88, s3;
	s6 =	simm.s32 @!p1 $0x1082;
	[sflag:s4] =	ssyncset.s32 $0xFFFFF086  }
0x25: {  	[simem:s6], [sflag:s4] =	dma.local [hbm:s3], $0xF7A  }
0x26: {  	[smem:$0x3F9B] =	sst s1;
	(tag) =	ssettag s2;
	_ =	strace s9  }
0x27: {  	s1 =	sld [smem:$0x3FAB]  }
0x28: {  	s2 =	sld [smem:$0x3FAC]  }
0x29: {  	s4 =	sld [smem:$0x3FAE]  }
0x2a: {  	p0 =	seq.s32 s5, $0x0;
	s5 =	sld [smem:$0x3FAF]  }
0x2b: {  	s6 =	sld [smem:$0x3FB0]  }
0x2c: {  	s7 =	sld [smem:$0x3FB1]  }
0x2d: {  	s3 =	simm.s32 $0x108;
	s8 =	sld [smem:$0x3FB2]  }
0x2e: {  	s3 =	simm.s32 @!p0 $0x1082;
	s9 =	sld [smem:$0x3FB3]  }
0x2f: {  	lr =	sadd.s32 s0, s3;
	s0 =	sld [smem:$0x3FAA]  }
0x30: {  	s3 =	sld [smem:$0x3FAD]  }
0x31: {  	[smem:$0x3FB6] =	sst s10  }
0x32: {  	s10 =	sld [smem:$0x3FB4];
	_ =	sdelay $0x3  }
0x33: {  	p0 =	seq.s32 s10, $0x1;
	s10 =	sld [smem:$0x3FB6];
	_ =	sdelay $0x3  }
0x34: {  	[smem:$0x3FB6] =	sst s10  }
0x35: {  	s10 =	sld [smem:$0x3FB5];
	_ =	sdelay $0x3  }
0x36: {  	p1 =	seq.s32 s10, $0x1;
	s10 =	sld [smem:$0x3FB6];
	_ =	sdelay $0x3  }
0x37: {  	[smem:$0x3FB6] =	sst s10  }
0x38: {  	s10 =	sld [smem:$0x3FB7]  }
0x39: {  	_ = 	snop;
	(pc) =	sbr.ind lr, $3  }
0x3a: {  	_ = 	snop  }
0x3b: {  	_ = 	snop  }
0x3c: {  	p2 =	seq.s32 s10, $0x1;
	s10 =	sld [smem:$0x3FB6]  }
0x3d: {  	_ =	shalt  }
0x3e: {  	_ =	shalt  }
0x3f: {  	_ =	shalt  }
0x40: {  	_ =	shalt  }
0x41: {  	_ =	shalt  }
0x42: {  	_ =	shalt  }
0x43: {  	_ =	shalt  }
0x44: {  	_ =	shalt  }
0x45: {  	_ =	shalt  }
0x46: {  	_ =	shalt  }
0x47: {  	_ =	shalt  }
0x48: {  	_ =	shalt  }
0x49: {  	_ =	shalt  }
0x4a: {  	_ =	shalt  }
0x4b: {  	_ =	shalt  }
0x4c: {  	_ =	shalt  }
0x4d: {  	_ =	shalt  }
0x4e: {  	_ =	shalt  }
0x4f: {  	_ =	shalt  }
0x50: {  	_ =	shalt  }
0x51: {  	_ =	shalt  }
0x52: {  	_ =	shalt  }
0x53: {  	_ =	shalt  }
0x54: {  	_ =	shalt  }
0x55: {  	_ =	shalt  }
0x56: {  	_ =	shalt  }
0x57: {  	_ =	shalt  }
0x58: {  	_ =	shalt  }
0x59: {  	_ =	shalt  }
0x5a: {  	_ =	shalt  }
0x5b: {  	_ =	shalt  }
0x5c: {  	_ =	shalt  }
0x5d: {  	_ =	shalt  }
0x5e: {  	_ =	shalt  }
0x5f: {  	_ =	shalt  }
0x60: {  	_ =	shalt  }
0x61: {  	_ =	shalt  }
0x62: {  	_ =	shalt  }
0x63: {  	_ =	shalt  }
0x64: {  	_ =	shalt  }
0x65: {  	_ =	shalt  }
0x66: {  	_ =	shalt  }
0x67: {  	_ =	shalt  }
0x68: {  	_ =	shalt  }
0x69: {  	_ =	shalt  }
0x6a: {  	_ =	shalt  }
0x6b: {  	_ =	shalt  }
0x6c: {  	_ =	shalt  }
0x6d: {  	_ =	shalt  }
0x6e: {  	_ =	shalt  }
0x6f: {  	_ =	shalt  }
0x70: {  	_ =	shalt  }
0x71: {  	_ =	shalt  }
0x72: {  	_ =	shalt  }
0x73: {  	_ =	shalt  }
0x74: {  	_ =	shalt  }
0x75: {  	_ =	shalt  }
0x76: {  	_ =	shalt  }
0x77: {  	_ =	shalt  }
0x78: {  	_ =	shalt  }
0x79: {  	_ =	shalt  }
0x7a: {  	_ =	shalt  }
0x7b: {  	_ =	shalt  }
0x7c: {  	_ =	shalt  }
0x7d: {  	_ =	shalt  }
0x7e: {  	_ =	shalt  }
0x7f: {  	_ =	shalt  }
0x80: {  	_ =	shalt  }
0x81: {  	_ =	shalt  }
0x82: {  	_ =	shalt  }
0x83: {  	_ =	shalt  }
0x84: {  	_ =	shalt  }
0x85: {  	_ =	shalt  }
0x86: {  	_ =	shalt  }
0x87: {  	_ =	shalt  }
.Lfunc_end0:
.L_simem_size_0:
called_computation.2_lowered:
.L_overlay_start_0:
0x88: {  	s2 =	sld [smem:$0x3FD9]  }
0x89: {  	s3 =	sld [smem:$0x3FFE];
	_ =	sdelay $0x1  }
0x8a: {  	s1 =	srdreg.scid  }
0x8b: {  	s0 =	sand.u32 $0x1, s1  }
0x8c: {  	s16 =	sshll.u32 s0, $0xA;
	s2 =	sadd.s32 s3, s2  }
0x8d: {  	s2 =	sadd.s32 s2, s16  }
0x8e: {  	[smem:$0x3FC2] =	sst s2  }
0x8f: {  	_ = 	snop  }
0x90: {  	(tm) =	ssettm $0x1  }
0x91: {  	s17 =	sld [smem:$0x3FFB];
	_ =	sdelay $0x3  }
0x92: {  	_ =	strace s17  }
0x93: {  	s2 =	sld [smem:$0x3FFC];
	_ =	sdelay $0x3  }
0x94: {  	_ =	strace s2  }
0x95: {  	s2 =	sld [smem:$0x3FFD];
	_ =	sdelay $0x3  }
0x96: {  	_ =	strace s2  }
0x97: {  	_ =	strace $0x8FFFFFFF  }
0x98: {  	s18 =	sld [smem:$0x3FDB];
	_ =	sdelay $0x1  }
0x99: {  	s19 =	simm.s32 $_scs_section_size  }
0x9a: {  	s4 =	simm.s32 $_size__tile_overlayer_lowered;
	s5 =	simm.s32 $_tile_overlayer_lowered  }
0x9b: {  	s22 =	simm.s32 $0x1BFF;
	s21 =	sshll.u32 s5, $0x1;
	s2 =	sadd.s32 s19, s18  }
0x9c: {  	s6 =	simm.s32 $0x0;
	s20 =	sshll.u32 s4, $0x1;
	s4 =	sadd.s32 s21, s2  }
0x9d: {  	[timem:s6], [sflag:s22] =	dma.local [hbm:s4], s20  }
0x9e: {  	_ =	swait.ge [sflag:s22], s20  }
0x9f: {  	s3 =	ssub.s32 $0x0, s20;
	[sflag:s22] =	ssyncset.done $0x0  }
0xa0: {  	[sflag:s22] =	ssyncadd.s32 s3;
	_ =	sdelay $0x1  }
0xa1: {  	s23 =	simm.s32 $0x1B8B  }
0xa2: {  	_ =	swait.ge [sflag:s23], $0x1  }
0xa3: {  	[sflag:s23] =	ssyncset.done $0x0  }
0xa4: {  	s25 =	simm.s32 $0x1B8E;
	s24 =	sld [smem:$0x3FFE];
	[sflag:s23] =	ssyncadd.s32 $0xFFFFFFFF  }
0xa5: {  	s26 =	simm.s32 $execute0_lowered;
	[smem:$0x3FD2] =	sst s25  }
0xa6: {  	s4 =	sshll.u32 s26, $0x1;
	_ =	strace $0x8000004C;
	[dreg:$0x1] =	wrdreg $0xFFFFFFFF  }
0xa7: {  	s28 =	simm.s32 $_size_execute0_lowered;
	s2 =	sadd.s32 s2, s4;
	[dreg:$0x0] =	wrdreg $0x0  }
0xa8: {  	s4 =	sshll.u32 s28, $0x1;
	[dreg:$0x2] =	wrdreg s2  }
0xa9: {  	[dreg:$0x3] =	wrdreg s4  }
0xaa: {  	[dreg:$0x4] =	wrdreg $0xC0  }
0xab: {  	_ =	task [dreg:s6], $0x5FFFF  }
0xac: {  	[dreg:$0x1] =	wrdreg $0xFFFFFFFF  }
0xad: {  	[dreg:$0x0] =	wrdreg $0x60  }
0xae: {  	[dreg:$0x2] =	wrdreg s24  }
0xaf: {  	[dreg:$0x3] =	wrdreg $0x13E800  }
0xb0: {  	[dreg:$0x4] =	wrdreg $0x126000  }
0xb1: {  	[dreg:$0x5] =	wrdreg $0x9  }
0xb2: {  	_ =	task.clear_ibuf [dreg:s6], $0x6FFFF;
	_ =	strace $0x9000004C  }
0xb3: {  	s29 =	simm.s32 $0x9;
	_ =	strace $0x8000004E  }
0xb4: {  	_ =	swait.ge [sflag:s29], $0x1  }
0xb5: {  	[sflag:s29] =	ssyncadd.s32 $0xFFFFFFFF  }
0xb6: {  	_ =	strace $0x9000004E  }
0xb7: {  	_ =	sfence  }
0xb8: {  	s30 =	sld [smem:$0x0];
	_ =	sdelay $0x2  }
0xb9: {  	s31 =	sshll.u32 s1, $0xD;
	s1 =	sshrl.u32 s1, $0x2  }
0xba: {  	s3 =	sand.u32 $0x4000, s31;
	s1 =	sadd.s32 s1, s30  }
0xbb: {  	s0 =	sor.u32 s3, s0;
	s1 =	sshll.u32 s1, $0x11  }
0xbc: {  	s0 =	sor.u32 s1, s0  }
0xbd: {  	s0 =	sadd.s32 $0x8F2B, s0  }
0xbe: {  	[sflag:s0] =	ssyncadd.remote.s32 $0x1  }
0xbf: {  	_ =	sfence.sel $0xFFFF  }
0xc0: {  	[dreg:$0x0] =	wrdreg $0xFFFFFFFF;
	(pc) =	sbr.abs _section_cstart, $3  }
0xc1: {  	[dreg:$0x1] =	wrdreg $0xFFFFFFFF  }
0xc2: {  	_ =	task.clear_ibuf [dreg:s6], $0x2FFFF;
	_ =	strace $0x9FFFFFFF  }
0xc3: {  	(tm) =	ssettm $0x7FFFFFFF  }
tec
execute0_lowered:
.L_overlay_start_1:
0x0: {  	(tag) =	ssettag $0x1  }
0x1: {  	s4 =	rddreg [dreg:$0x0]  }
0x2: {  	s1 =	rddreg [dreg:$0x1]  }
0x3: {  	s2 =	rddreg [dreg:$0x2]  }
0x4: {  	s0 =	rddreg [dreg:$0x3];
	s3 =	simm.s32 $0x0;
	s5 =	srdreg.scid  }
0x5: {  	s7 =	stileid.u32;
	p1 =	por $0x0, $0x0;
	[smem:$0x7FF] =	sst s3  }
0x6: {  	s5 =	sand.u32 $0x1, s5;
	s8 =	sadd.s32 $0x6E000, s4;
	s9 =	sadd.s32 $0x2C00, s4  }
0x7: {  	s15 =	sadd.s32 $0x67E00, s4;
	s6 =	sshll.u32 s5, $0x4;
	s5 =	ssub.s32 $0x2, s5  }
0x8: {  	s18 =	sadd.s32 $0x64C00, s4;
	p0 =	sne.s32 s7, $0x0;
	s28 =	sshrl.u32 s5, $0x1  }
0x9: {  	_ =	strace $0x8000004D;
	s10 =	sor.u32 s7, s6;
	s5 =	ssub.s32 s5, s28  }
0xa: {  	s4 =	sadd.s32 s6, s4;
	s6 =	simm.s32 $0x1;
	s19 =	smax.u32 s5, $0x1  }
0xb: {  	s7 =	simm.s32 $0x6200;
	s10 =	smul.u32 $0x18800, s10;
	s22 =	sadd.s32 $0xFFFFFFFF, s19  }
0xc: {  	s4 =	sadd.s32 $0xD0000, s4;
	s5 =	sshrl.u32 @!p0 s1, $0x3;
	p2 =	sne.s32 s22, $0x0  }
.Ltmp0:
0xd: {  	s29 =	sshrl.u32 s10, $0x3;
	s19 =	sshrl.u32 @!p0 s2, $0x3;
	(pc) =	sbr.rel @!p2 .LBB2_3-.Ltmp0, $4  }
0xe: {  	s17 =	sadd.s32 s8, s29;
	s30 =	sadd.s32 $0xC40, s29;
	s16 =	sadd.s32 s9, s29  }
0xf: {  	s10 =	sadd.s32 $0x1880, s29;
	s31 =	sadd.s32 $0x24C0, s29;
	s14 =	sadd.s32 s8, s30  }
0x10: {  	s13 =	sadd.s32 s9, s30;
	s12 =	sadd.s32 s8, s10;
	s11 =	sadd.s32 s9, s10  }
0x11: {  	s10 =	sadd.s32 s8, s31;
	s9 =	sadd.s32 s9, s31;
	s8 =	simm.s32 $0xC400  }
0x12: {  	s21 =	simm.s32 @!p0 $0x1C01;
	s20 =	simm.s32 @!p0 $0x1  }
0x13: {  	[spmem:s5], [sflag:s21] =	dma.local @!p0 [hbm:s18], $0x3100  }
0x14: {  	_ =	swait.ge @!p0 [sflag:s20], $0x3100  }
0x15: {  	[sflag:s20] =	ssyncset.done @!p0 $0x0  }
0x16: {  	[sflag:s20] =	ssyncadd.s32 @!p0 $0xFFFFCF00  }
0x17: {  	[spmem:s19], [sflag:s21] =	dma.local @!p0 [hbm:s15], $0x3100  }
0x18: {  	_ =	swait.ge @!p0 [sflag:s20], $0x3100  }
0x19: {  	[sflag:s20] =	ssyncset.done @!p0 $0x0  }
0x1a: {  	[sflag:s20] =	ssyncadd.s32 @!p0 $0xFFFFCF00  }
0x1b: {  	[bflag:$0x0] =	sbarrier.arrive $0xFFFF  }
0x1c: {  	[tilespmem:s3], [sflag:$0x1] =	stream.linear.gather [hbm4b:s17+s3], $0x6200, $0x38;
	[tilespmem:$0x15700] =	vst v63  }
0x1d: {  	_ =	swait.ge [sflag:s6], $0x6200  }
0x1e: {  	[sflag:s6] =	ssyncset.done $0x0  }
0x1f: {  	[sflag:s6] =	ssyncadd.s32 $0xFFFF9E00  }
0x20: {  	[tilespmem:s7], [sflag:$0x1] =	stream.linear.gather [hbm4b:s16+s3], $0x6200, $0x38;
	[tilespmem:$0x15700] =	vst v63  }
0x21: {  	_ =	swait.ge [sflag:s6], $0x6200  }
0x22: {  	[sflag:s6] =	ssyncset.done $0x0  }
0x23: {  	[sflag:s6] =	ssyncadd.s32 $0xFFFF9E00  }
0x24: {  	[tilespmem:s8], [sflag:$0x1] =	stream.indirect.gather [spmem:s2], $0x1, s3, s7, $0xb8;
	[tilespmem:$0x15700] =	vst v63  }
0x25: {  	_ =	swait.ge [sflag:s6], $0x6200  }
0x26: {  	[sflag:s6] =	ssyncset.done $0x0  }
0x27: {  	[sflag:s6] =	ssyncadd.s32 $0xFFFF9E00  }
0x28: {  	[spmem:s1] =	stream.indirect.scatter.add.f32 [tilespmem:s8], [sflag:$0x1], $0x1, s7, s7, $0xb8;
	[tilespmem:$0x15700] =	vst v63  }
0x29: {  	_ =	swait.ge [sflag:s6], $0x6200  }
0x2a: {  	[sflag:s6] =	ssyncset.done $0x0  }
0x2b: {  	[sflag:s6] =	ssyncadd.s32 $0xFFFF9E00  }
0x2c: {  	[tilespmem:s3], [sflag:$0x1] =	stream.linear.gather [hbm4b:s14+s3], $0x6200, $0x38;
	[tilespmem:$0x15700] =	vst v63  }
0x2d: {  	_ =	swait.ge [sflag:s6], $0x6200  }
0x2e: {  	[sflag:s6] =	ssyncset.done $0x0  }
0x2f: {  	[sflag:s6] =	ssyncadd.s32 $0xFFFF9E00  }
0x30: {  	[tilespmem:s7], [sflag:$0x1] =	stream.linear.gather [hbm4b:s13+s3], $0x6200, $0x38;
	[tilespmem:$0x15700] =	vst v63  }
0x31: {  	_ =	swait.ge [sflag:s6], $0x6200  }
0x32: {  	[sflag:s6] =	ssyncset.done $0x0  }
0x33: {  	[sflag:s6] =	ssyncadd.s32 $0xFFFF9E00  }
0x34: {  	[tilespmem:s8], [sflag:$0x1] =	stream.indirect.gather [spmem:s2], $0x1, s3, s7, $0xb8;
	[tilespmem:$0x15700] =	vst v63  }
0x35: {  	_ =	swait.ge [sflag:s6], $0x6200  }
0x36: {  	[sflag:s6] =	ssyncset.done $0x0  }
0x37: {  	[sflag:s6] =	ssyncadd.s32 $0xFFFF9E00  }
0x38: {  	[spmem:s1] =	stream.indirect.scatter.add.f32 [tilespmem:s8], [sflag:$0x1], $0x1, s7, s7, $0xb8;
	[tilespmem:$0x15700] =	vst v63  }
0x39: {  	_ =	swait.ge [sflag:s6], $0x6200  }
0x3a: {  	[sflag:s6] =	ssyncset.done $0x0  }
0x3b: {  	[sflag:s6] =	ssyncadd.s32 $0xFFFF9E00  }
0x3c: {  	[tilespmem:s3], [sflag:$0x1] =	stream.linear.gather [hbm4b:s12+s3], $0x6200, $0x38;
	[tilespmem:$0x15700] =	vst v63  }
0x3d: {  	_ =	swait.ge [sflag:s6], $0x6200  }
0x3e: {  	[sflag:s6] =	ssyncset.done $0x0  }
0x3f: {  	[sflag:s6] =	ssyncadd.s32 $0xFFFF9E00  }
0x40: {  	[tilespmem:s7], [sflag:$0x1] =	stream.linear.gather [hbm4b:s11+s3], $0x6200, $0x38;
	[tilespmem:$0x15700] =	vst v63  }
0x41: {  	_ =	swait.ge [sflag:s6], $0x6200  }
0x42: {  	[sflag:s6] =	ssyncset.done $0x0  }
0x43: {  	[sflag:s6] =	ssyncadd.s32 $0xFFFF9E00  }
0x44: {  	[tilespmem:s8], [sflag:$0x1] =	stream.indirect.gather [spmem:s2], $0x1, s3, s7, $0xb8;
	[tilespmem:$0x15700] =	vst v63  }
0x45: {  	_ =	swait.ge [sflag:s6], $0x6200  }
0x46: {  	[sflag:s6] =	ssyncset.done $0x0  }
0x47: {  	[sflag:s6] =	ssyncadd.s32 $0xFFFF9E00  }
0x48: {  	[spmem:s1] =	stream.indirect.scatter.add.f32 [tilespmem:s8], [sflag:$0x1], $0x1, s7, s7, $0xb8;
	[tilespmem:$0x15700] =	vst v63  }
0x49: {  	_ =	swait.ge [sflag:s6], $0x6200  }
0x4a: {  	[sflag:s6] =	ssyncset.done $0x0  }
0x4b: {  	[sflag:s6] =	ssyncadd.s32 $0xFFFF9E00  }
0x4c: {  	[tilespmem:s3], [sflag:$0x1] =	stream.linear.gather [hbm4b:s10+s3], $0x6200, $0x38;
	[tilespmem:$0x15700] =	vst v63  }
0x4d: {  	_ =	swait.ge [sflag:s6], $0x6200  }
0x4e: {  	[sflag:s6] =	ssyncset.done $0x0  }
0x4f: {  	[sflag:s6] =	ssyncadd.s32 $0xFFFF9E00  }
0x50: {  	[tilespmem:s7], [sflag:$0x1] =	stream.linear.gather [hbm4b:s9+s3], $0x6200, $0x38;
	[tilespmem:$0x15700] =	vst v63  }
0x51: {  	_ =	swait.ge [sflag:s6], $0x6200  }
0x52: {  	[sflag:s6] =	ssyncset.done $0x0  }
0x53: {  	[sflag:s6] =	ssyncadd.s32 $0xFFFF9E00  }
0x54: {  	[tilespmem:s8], [sflag:$0x1] =	stream.indirect.gather [spmem:s2], $0x1, s3, s7, $0xb8;
	[tilespmem:$0x15700] =	vst v63  }
0x55: {  	_ =	swait.ge [sflag:s6], $0x6200  }
0x56: {  	[sflag:s6] =	ssyncset.done $0x0  }
0x57: {  	[sflag:s6] =	ssyncadd.s32 $0xFFFF9E00  }
0x58: {  	[spmem:s1] =	stream.indirect.scatter.add.f32 [tilespmem:s8], [sflag:$0x1], $0x1, s7, s7, $0xb8;
	[tilespmem:$0x15700] =	vst v63  }
0x59: {  	s22 =	sadd.s32 $0xFFFFFFFF, s22;
	_ =	swait.ge [sflag:s6], $0x6200  }
0x5a: {  	p2 =	sne.s32 s22, $0x0;
	[sflag:s6] =	ssyncset.done $0x0  }
.Ltmp1:
0x5b: {  	[sflag:s6] =	ssyncadd.s32 $0xFFFF9E00;
	(pc) =	sbr.rel @!p2 .LBB2_3-.Ltmp1, $4  }
0x5c: {  	s23 =	simm.s32 @!p0 $0x20;
	s24 =	simm.s32 @!p0 $0x10;
	[bflag:$0x0] =	sbarrier.arrive $0xFFFF  }
0x5d: {  	[hbm:s4@s23], [sflag:s21] =	dma.strided @!p0 [spmem:s5@s24], $0x3100, s20, $0x10   }
0x5e: {  	_ =	swait.ge @!p0 [sflag:s20], $0x3100  }
0x5f: {  	p1 =	por $0x1, $0x1;
	[sflag:s20] =	ssyncset.done @!p0 $0x0  }
.LBB2_2:
0x60: {  	[sflag:s20] =	ssyncadd.s32 @!p0 $0xFFFFCF00  }
0x61: {  	[spmem:s5], [sflag:s21] =	dma.local @!p0 [hbm:s18], $0x3100  }
0x62: {  	s22 =	sadd.s32 $0xFFFFFFFF, s22;
	_ =	swait.ge @!p0 [sflag:s20], $0x3100  }
0x63: {  	p2 =	sne.s32 s22, $0x0;
	[sflag:s20] =	ssyncset.done @!p0 $0x0  }
0x64: {  	[sflag:s20] =	ssyncadd.s32 @!p0 $0xFFFFCF00  }
0x65: {  	[spmem:s19], [sflag:s21] =	dma.local @!p0 [hbm:s15], $0x3100  }
0x66: {  	_ =	swait.ge @!p0 [sflag:s20], $0x3100  }
0x67: {  	[sflag:s20] =	ssyncset.done @!p0 $0x0  }
0x68: {  	[sflag:s20] =	ssyncadd.s32 @!p0 $0xFFFFCF00  }
0x69: {  	[bflag:$0x0] =	sbarrier.arrive $0xFFFF  }
0x6a: {  	[tilespmem:s3], [sflag:$0x1] =	stream.linear.gather [hbm4b:s17+s3], $0x6200, $0x38;
	[tilespmem:$0x15700] =	vst v63  }
0x6b: {  	_ =	swait.ge [sflag:s6], $0x6200  }
0x6c: {  	[sflag:s6] =	ssyncset.done $0x0  }
0x6d: {  	[sflag:s6] =	ssyncadd.s32 $0xFFFF9E00  }
0x6e: {  	[tilespmem:s7], [sflag:$0x1] =	stream.linear.gather [hbm4b:s16+s3], $0x6200, $0x38;
	[tilespmem:$0x15700] =	vst v63  }
0x6f: {  	_ =	swait.ge [sflag:s6], $0x6200  }
0x70: {  	[sflag:s6] =	ssyncset.done $0x0  }
0x71: {  	[sflag:s6] =	ssyncadd.s32 $0xFFFF9E00  }
0x72: {  	[tilespmem:s8], [sflag:$0x1] =	stream.indirect.gather [spmem:s2], $0x1, s3, s7, $0xb8;
	[tilespmem:$0x15700] =	vst v63  }
0x73: {  	_ =	swait.ge [sflag:s6], $0x6200  }
0x74: {  	[sflag:s6] =	ssyncset.done $0x0  }
0x75: {  	[sflag:s6] =	ssyncadd.s32 $0xFFFF9E00  }
0x76: {  	[spmem:s1] =	stream.indirect.scatter.add.f32 [tilespmem:s8], [sflag:$0x1], $0x1, s7, s7, $0xb8;
	[tilespmem:$0x15700] =	vst v63  }
0x77: {  	_ =	swait.ge [sflag:s6], $0x6200  }
0x78: {  	[sflag:s6] =	ssyncset.done $0x0  }
0x79: {  	[sflag:s6] =	ssyncadd.s32 $0xFFFF9E00  }
0x7a: {  	[tilespmem:s3], [sflag:$0x1] =	stream.linear.gather [hbm4b:s14+s3], $0x6200, $0x38;
	[tilespmem:$0x15700] =	vst v63  }
0x7b: {  	_ =	swait.ge [sflag:s6], $0x6200  }
0x7c: {  	[sflag:s6] =	ssyncset.done $0x0  }
0x7d: {  	[sflag:s6] =	ssyncadd.s32 $0xFFFF9E00  }
0x7e: {  	[tilespmem:s7], [sflag:$0x1] =	stream.linear.gather [hbm4b:s13+s3], $0x6200, $0x38;
	[tilespmem:$0x15700] =	vst v63  }
0x7f: {  	_ =	swait.ge [sflag:s6], $0x6200  }
0x80: {  	[sflag:s6] =	ssyncset.done $0x0  }
0x81: {  	[sflag:s6] =	ssyncadd.s32 $0xFFFF9E00  }
0x82: {  	[tilespmem:s8], [sflag:$0x1] =	stream.indirect.gather [spmem:s2], $0x1, s3, s7, $0xb8;
	[tilespmem:$0x15700] =	vst v63  }
0x83: {  	_ =	swait.ge [sflag:s6], $0x6200  }
0x84: {  	[sflag:s6] =	ssyncset.done $0x0  }
0x85: {  	[sflag:s6] =	ssyncadd.s32 $0xFFFF9E00  }
0x86: {  	[spmem:s1] =	stream.indirect.scatter.add.f32 [tilespmem:s8], [sflag:$0x1], $0x1, s7, s7, $0xb8;
	[tilespmem:$0x15700] =	vst v63  }
0x87: {  	_ =	swait.ge [sflag:s6], $0x6200  }
0x88: {  	[sflag:s6] =	ssyncset.done $0x0  }
0x89: {  	[sflag:s6] =	ssyncadd.s32 $0xFFFF9E00  }
0x8a: {  	[tilespmem:s3], [sflag:$0x1] =	stream.linear.gather [hbm4b:s12+s3], $0x6200, $0x38;
	[tilespmem:$0x15700] =	vst v63  }
0x8b: {  	_ =	swait.ge [sflag:s6], $0x6200  }
0x8c: {  	[sflag:s6] =	ssyncset.done $0x0  }
0x8d: {  	[sflag:s6] =	ssyncadd.s32 $0xFFFF9E00  }
0x8e: {  	[tilespmem:s7], [sflag:$0x1] =	stream.linear.gather [hbm4b:s11+s3], $0x6200, $0x38;
	[tilespmem:$0x15700] =	vst v63  }
0x8f: {  	_ =	swait.ge [sflag:s6], $0x6200  }
0x90: {  	[sflag:s6] =	ssyncset.done $0x0  }
0x91: {  	[sflag:s6] =	ssyncadd.s32 $0xFFFF9E00  }
0x92: {  	[tilespmem:s8], [sflag:$0x1] =	stream.indirect.gather [spmem:s2], $0x1, s3, s7, $0xb8;
	[tilespmem:$0x15700] =	vst v63  }
0x93: {  	_ =	swait.ge [sflag:s6], $0x6200  }
0x94: {  	[sflag:s6] =	ssyncset.done $0x0  }
0x95: {  	[sflag:s6] =	ssyncadd.s32 $0xFFFF9E00  }
0x96: {  	[spmem:s1] =	stream.indirect.scatter.add.f32 [tilespmem:s8], [sflag:$0x1], $0x1, s7, s7, $0xb8;
	[tilespmem:$0x15700] =	vst v63  }
0x97: {  	_ =	swait.ge [sflag:s6], $0x6200  }
0x98: {  	[sflag:s6] =	ssyncset.done $0x0  }
0x99: {  	[sflag:s6] =	ssyncadd.s32 $0xFFFF9E00  }
0x9a: {  	[tilespmem:s3], [sflag:$0x1] =	stream.linear.gather [hbm4b:s10+s3], $0x6200, $0x38;
	[tilespmem:$0x15700] =	vst v63  }
0x9b: {  	_ =	swait.ge [sflag:s6], $0x6200  }
0x9c: {  	[sflag:s6] =	ssyncset.done $0x0  }
0x9d: {  	[sflag:s6] =	ssyncadd.s32 $0xFFFF9E00  }
0x9e: {  	[tilespmem:s7], [sflag:$0x1] =	stream.linear.gather [hbm4b:s9+s3], $0x6200, $0x38;
	[tilespmem:$0x15700] =	vst v63  }
0x9f: {  	_ =	swait.ge [sflag:s6], $0x6200  }
0xa0: {  	[sflag:s6] =	ssyncset.done $0x0  }
0xa1: {  	[sflag:s6] =	ssyncadd.s32 $0xFFFF9E00  }
0xa2: {  	[tilespmem:s8], [sflag:$0x1] =	stream.indirect.gather [spmem:s2], $0x1, s3, s7, $0xb8;
	[tilespmem:$0x15700] =	vst v63  }
0xa3: {  	_ =	swait.ge [sflag:s6], $0x6200  }
0xa4: {  	[sflag:s6] =	ssyncset.done $0x0  }
0xa5: {  	[sflag:s6] =	ssyncadd.s32 $0xFFFF9E00  }
0xa6: {  	[spmem:s1] =	stream.indirect.scatter.add.f32 [tilespmem:s8], [sflag:$0x1], $0x1, s7, s7, $0xb8;
	[tilespmem:$0x15700] =	vst v63  }
0xa7: {  	_ =	swait.ge [sflag:s6], $0x6200  }
0xa8: {  	[sflag:s6] =	ssyncset.done $0x0  }
.Ltmp2:
0xa9: {  	[sflag:s6] =	ssyncadd.s32 $0xFFFF9E00;
	(pc) =	sbr.rel @p2 .LBB2_2-.Ltmp2, $4  }
0xaa: {  	[bflag:$0x0] =	sbarrier.arrive $0xFFFF  }
0xab: {  	[hbm:s4@s23], [sflag:s21] =	dma.strided @!p0 [spmem:s5@s24], $0x3100, s20, $0x10   }
0xac: {  	_ =	swait.ge @!p0 [sflag:s20], $0x3100  }
0xad: {  	[sflag:s20] =	ssyncset.done @!p0 $0x0  }
.LBB2_3:
0xae: {  	p1 =	por p0, !p1  }
0xaf: {  	s22 =	simm.s32 @!p0 $0x1C01;
	s21 =	simm.s32 @!p0 $0x1;
	[sflag:s20] =	ssyncadd.s32 @!p1 $0xFFFFCF00  }
0xb0: {  	[spmem:s5], [sflag:s22] =	dma.local @!p0 [hbm:s18], $0x3100  }
0xb1: {  	_ =	swait.ge @!p0 [sflag:s21], $0x3100  }
0xb2: {  	[sflag:s21] =	ssyncset.done @!p0 $0x0  }
0xb3: {  	[sflag:s21] =	ssyncadd.s32 @!p0 $0xFFFFCF00  }
0xb4: {  	[spmem:s19], [sflag:s22] =	dma.local @!p0 [hbm:s15], $0x3100  }
0xb5: {  	_ =	swait.ge @!p0 [sflag:s21], $0x3100  }
0xb6: {  	[sflag:s21] =	ssyncset.done @!p0 $0x0  }
0xb7: {  	[sflag:s21] =	ssyncadd.s32 @!p0 $0xFFFFCF00  }
0xb8: {  	[bflag:$0x0] =	sbarrier.arrive $0xFFFF  }
0xb9: {  	[tilespmem:s3], [sflag:$0x1] =	stream.linear.gather [hbm4b:s17+s3], $0x6200, $0x38;
	[tilespmem:$0x15700] =	vst v63  }
0xba: {  	_ =	swait.ge [sflag:s6], $0x6200  }
0xbb: {  	[sflag:s6] =	ssyncset.done $0x0  }
0xbc: {  	[sflag:s6] =	ssyncadd.s32 $0xFFFF9E00  }
0xbd: {  	[tilespmem:s7], [sflag:$0x1] =	stream.linear.gather [hbm4b:s16+s3], $0x6200, $0x38;
	[tilespmem:$0x15700] =	vst v63  }
0xbe: {  	_ =	swait.ge [sflag:s6], $0x6200  }
0xbf: {  	[sflag:s6] =	ssyncset.done $0x0  }
0xc0: {  	[sflag:s6] =	ssyncadd.s32 $0xFFFF9E00  }
0xc1: {  	[tilespmem:s8], [sflag:$0x1] =	stream.indirect.gather [spmem:s2], $0x1, s3, s7, $0xb8;
	[tilespmem:$0x15700] =	vst v63  }
0xc2: {  	_ =	swait.ge [sflag:s6], $0x6200  }
0xc3: {  	[sflag:s6] =	ssyncset.done $0x0  }
0xc4: {  	[sflag:s6] =	ssyncadd.s32 $0xFFFF9E00  }
0xc5: {  	[spmem:s1] =	stream.indirect.scatter.add.f32 [tilespmem:s8], [sflag:$0x1], $0x1, s7, s7, $0xb8;
	[tilespmem:$0x15700] =	vst v63  }
0xc6: {  	_ =	swait.ge [sflag:s6], $0x6200  }
0xc7: {  	[sflag:s6] =	ssyncset.done $0x0  }
0xc8: {  	[sflag:s6] =	ssyncadd.s32 $0xFFFF9E00  }
0xc9: {  	[tilespmem:s3], [sflag:$0x1] =	stream.linear.gather [hbm4b:s14+s3], $0x6200, $0x38;
	[tilespmem:$0x15700] =	vst v63  }
0xca: {  	_ =	swait.ge [sflag:s6], $0x6200  }
0xcb: {  	[sflag:s6] =	ssyncset.done $0x0  }
0xcc: {  	[sflag:s6] =	ssyncadd.s32 $0xFFFF9E00  }
0xcd: {  	[tilespmem:s7], [sflag:$0x1] =	stream.linear.gather [hbm4b:s13+s3], $0x6200, $0x38;
	[tilespmem:$0x15700] =	vst v63  }
0xce: {  	_ =	swait.ge [sflag:s6], $0x6200  }
0xcf: {  	[sflag:s6] =	ssyncset.done $0x0  }
0xd0: {  	[sflag:s6] =	ssyncadd.s32 $0xFFFF9E00  }
0xd1: {  	[tilespmem:s8], [sflag:$0x1] =	stream.indirect.gather [spmem:s2], $0x1, s3, s7, $0xb8;
	[tilespmem:$0x15700] =	vst v63  }
0xd2: {  	_ =	swait.ge [sflag:s6], $0x6200  }
0xd3: {  	[sflag:s6] =	ssyncset.done $0x0  }
0xd4: {  	[sflag:s6] =	ssyncadd.s32 $0xFFFF9E00  }
0xd5: {  	[spmem:s1] =	stream.indirect.scatter.add.f32 [tilespmem:s8], [sflag:$0x1], $0x1, s7, s7, $0xb8;
	[tilespmem:$0x15700] =	vst v63  }
0xd6: {  	_ =	swait.ge [sflag:s6], $0x6200  }
0xd7: {  	[sflag:s6] =	ssyncset.done $0x0  }
0xd8: {  	[sflag:s6] =	ssyncadd.s32 $0xFFFF9E00  }
0xd9: {  	[tilespmem:s3], [sflag:$0x1] =	stream.linear.gather [hbm4b:s12+s3], $0x6200, $0x38;
	[tilespmem:$0x15700] =	vst v63  }
0xda: {  	_ =	swait.ge [sflag:s6], $0x6200  }
0xdb: {  	[sflag:s6] =	ssyncset.done $0x0  }
0xdc: {  	[sflag:s6] =	ssyncadd.s32 $0xFFFF9E00  }
0xdd: {  	[tilespmem:s7], [sflag:$0x1] =	stream.linear.gather [hbm4b:s11+s3], $0x6200, $0x38;
	[tilespmem:$0x15700] =	vst v63  }
0xde: {  	_ =	swait.ge [sflag:s6], $0x6200  }
0xdf: {  	[sflag:s6] =	ssyncset.done $0x0  }
0xe0: {  	[sflag:s6] =	ssyncadd.s32 $0xFFFF9E00  }
0xe1: {  	[tilespmem:s8], [sflag:$0x1] =	stream.indirect.gather [spmem:s2], $0x1, s3, s7, $0xb8;
	[tilespmem:$0x15700] =	vst v63  }
0xe2: {  	_ =	swait.ge [sflag:s6], $0x6200  }
0xe3: {  	[sflag:s6] =	ssyncset.done $0x0  }
0xe4: {  	[sflag:s6] =	ssyncadd.s32 $0xFFFF9E00  }
0xe5: {  	[spmem:s1] =	stream.indirect.scatter.add.f32 [tilespmem:s8], [sflag:$0x1], $0x1, s7, s7, $0xb8;
	[tilespmem:$0x15700] =	vst v63  }
0xe6: {  	_ =	swait.ge [sflag:s6], $0x6200  }
0xe7: {  	[sflag:s6] =	ssyncset.done $0x0  }
0xe8: {  	[sflag:s6] =	ssyncadd.s32 $0xFFFF9E00  }
0xe9: {  	[tilespmem:s3], [sflag:$0x1] =	stream.linear.gather [hbm4b:s10+s3], $0x6200, $0x38;
	[tilespmem:$0x15700] =	vst v63  }
0xea: {  	_ =	swait.ge [sflag:s6], $0x6200  }
0xeb: {  	[sflag:s6] =	ssyncset.done $0x0  }
0xec: {  	[sflag:s6] =	ssyncadd.s32 $0xFFFF9E00  }
0xed: {  	[tilespmem:s7], [sflag:$0x1] =	stream.linear.gather [hbm4b:s9+s3], $0x6200, $0x38;
	[tilespmem:$0x15700] =	vst v63  }
0xee: {  	_ =	swait.ge [sflag:s6], $0x6200  }
0xef: {  	[sflag:s6] =	ssyncset.done $0x0  }
0xf0: {  	[sflag:s6] =	ssyncadd.s32 $0xFFFF9E00  }
0xf1: {  	[tilespmem:s8], [sflag:$0x1] =	stream.indirect.gather [spmem:s2], $0x1, s3, s7, $0xb8;
	[tilespmem:$0x15700] =	vst v63  }
0xf2: {  	_ =	swait.ge [sflag:s6], $0x6200  }
0xf3: {  	[sflag:s6] =	ssyncset.done $0x0  }
0xf4: {  	[sflag:s6] =	ssyncadd.s32 $0xFFFF9E00  }
0xf5: {  	[spmem:s1] =	stream.indirect.scatter.add.f32 [tilespmem:s8], [sflag:$0x1], $0x1, s7, s7, $0xb8;
	[tilespmem:$0x15700] =	vst v63  }
0xf6: {  	_ =	swait.ge [sflag:s6], $0x6200  }
0xf7: {  	[sflag:s6] =	ssyncset.done $0x0  }
0xf8: {  	[sflag:s6] =	ssyncadd.s32 $0xFFFF9E00  }
0xf9: {  	s2 =	simm.s32 @!p0 $0x10;
	s1 =	simm.s32 @!p0 $0x20;
	[bflag:$0x0] =	sbarrier.arrive $0xFFFF  }
0xfa: {  	[hbm:s4@s1], [sflag:s22] =	dma.strided @!p0 [spmem:s5@s2], $0x3100, s21, $0x10   }
0xfb: {  	_ =	swait.ge @!p0 [sflag:s21], $0x3100  }
0xfc: {  	[sflag:s21] =	ssyncset.done @!p0 $0x0  }
0xfd: {  	[sflag:s21] =	ssyncadd.s32 @!p0 $0xFFFFCF00  }
0xfe: {  	_ =	sfence.sel $0x180000  }
0xff: {  	[bflag:$0x0] =	sbarrier.arrive $0xFFFF  }
0x100: {  	_ =	strace $0x9000004D  }
0x101: {  	s0 =	sadd.s32 @!p0 $0x100000, s0;
	[bflag:$0x2] =	sbarrier.arrive $0xFFFF  }
0x102: {  	[sflag:s0] =	ssyncadd.tile.s32 @!p0 $0x1;
	_ =	shalt  }
.Lfunc_end2:
_tile_overlayer_lowered:
.L_overlay_start_2:
0x103: {  	(tag) =	ssettag $0x2  }
0x104: {  	s0 =	rddreg [dreg:$0x0];
	s2 =	stileid.u32  }
0x105: {  	s1 =	rddreg [dreg:$0x1];
	p0 =	sne.s32 s2, $0x0  }
0x106: {  	s3 =	rddreg [dreg:$0x2];
	[bflag:$0x3] =	sbarrier.arrive $0xFFFF;
	s2 =	simm.s32 @!p0 $0x1C01  }
0x107: {  	[timem:s3], [sflag:s2] =	dma.local @!p0 [hbm:s0], s1  }
0x108: {  	s0 =	simm.s32 @!p0 $0x1  }
0x109: {  	_ =	swait.ge @!p0 [sflag:s0], s1  }
0x10a: {  	s1 =	ssub.s32 @!p0 $0x0, s1;
	[sflag:s0] =	ssyncset.done @!p0 $0x0  }
0x10b: {  	[sflag:s0] =	ssyncadd.s32 @!p0 s1  }
0x10c: {  	[bflag:$0x3] =	sbarrier.arrive $0xFFFF  }
0x10d: {  	_ =	shalt  }

// kernel: kernel.8.cloned.1.call-start
scs
__scs_entry_jumppad:
0x0: {  	(pc) =	sbr.rel $0x88, $3  }
0x1: {  	(tag) =	ssettag $0x0;
	lr =	simm.s32 $0x1  }
0x2: {  	[smem:$0x3F9B] =	sst lr;
	_ =	strace $0xD0000000  }
0x3: {  	_ = 	snop  }
0x4: {  	_ = 	snop  }
0x5: {  	_ = 	snop  }
0x6: {  	_ = 	snop  }
0x7: {  	_ = 	snop  }
__scs_overlays_trampoline_lowered:
0x8: {  	[smem:$0x3FAA] =	sst s0  }
0x9: {  	[smem:$0x3FAB] =	sst s1  }
0xa: {  	[smem:$0x3FAC] =	sst s2  }
0xb: {  	[smem:$0x3FAD] =	sst s3  }
0xc: {  	[smem:$0x3FAE] =	sst s4  }
0xd: {  	[smem:$0x3FAF] =	sst s5  }
0xe: {  	[smem:$0x3FB0] =	sst s6  }
0xf: {  	[smem:$0x3FB1] =	sst s7  }
0x10: {  	[smem:$0x3FB2] =	sst s8  }
0x11: {  	[smem:$0x3FB3] =	sst s9;
	s0 =	simm.s32 @!p0 $0x0  }
0x12: {  	s1 =	sld [smem:$0x3F99];
	s0 =	simm.s32 @p0 $0x1  }
0x13: {  	[smem:$0x3FB4] =	sst s0;
	s0 =	simm.s32 @!p1 $0x0  }
0x14: {  	s2 =	sld [smem:$0x3F98];
	s0 =	simm.s32 @p1 $0x1  }
0x15: {  	[smem:$0x3FB5] =	sst s0;
	s0 =	simm.s32 @!p2 $0x0  }
0x16: {  	s3 =	sld [smem:$0x3FDB];
	s0 =	simm.s32 @p2 $0x1  }
0x17: {  	s4 =	simm.s32 $0x1BF5;
	[smem:$0x3FB7] =	sst s0  }
0x18: {  	s0 =	sld [smem:$0x3F9A];
	_ =	swait.ge [sflag:s4], $0x0  }
0x19: {  	s7 =	sld [smem:$0x3F9B]  }
0x1a: {  	s8 =	sadd.s32 $0xFFFFE003, lr  }
0x1b: {  	s9 =	sadd.s32 $0xFFFFFEF7, lr;
	s5 =	simm.s32 $0xFFFFFFFF;
	p2 =	slt.u32 s8, $0xFFFFF086  }
0x1c: {  	p1 =	slt.u32 s9, $0xF7A;
	s5 =	simm.s32 @!p2 $0x0  }
0x1d: {  	s5 =	simm.s32 @p1 $0x1;
	p0 =	seq.s32 s7, s2  }
0x1e: {  	s7 =	smul.u32 @!p0 $0xF7A, s2;
	p2 =	seq.s32 @!p0 s5, $0x0  }
0x1f: {  	s9 =	smul.u32 $0xF7A, s1;
	s8 =	simm.s32 @!p0 $0x1BF5;
	p2 =	por !p2, p0  }
0x20: {  	[sflag:s8] =	ssyncset.s32 @!p0 $0xFFFFF086;
	s6 =	sadd.s32 @!p0 s3, s7;
	s7 =	simm.s32 @!p0 $0x108  }
0x21: {  	s3 =	sadd.s32 s3, s9;
	s6 =	sadd.s32 @!p0 $0x88, s6;
	s7 =	simm.s32 @p2 $0x1082  }
0x22: {  	[simem:s7], [sflag:s8] =	dma.local @!p0 [hbm:s6], $0xF7A  }
0x23: {  	s9 =	sor.u32 $0xD0000000, s2;
	s6 =	simm.s32 $0x108;
	_ =	swait.ge @!p0 [sflag:s8], $0x0  }
0x24: {  	s3 =	sadd.s32 $0x88, s3;
	s6 =	simm.s32 @!p1 $0x1082;
	[sflag:s4] =	ssyncset.s32 $0xFFFFF086  }
0x25: {  	[simem:s6], [sflag:s4] =	dma.local [hbm:s3], $0xF7A  }
0x26: {  	[smem:$0x3F9B] =	sst s1;
	(tag) =	ssettag s2;
	_ =	strace s9  }
0x27: {  	s1 =	sld [smem:$0x3FAB]  }
0x28: {  	s2 =	sld [smem:$0x3FAC]  }
0x29: {  	s4 =	sld [smem:$0x3FAE]  }
0x2a: {  	p0 =	seq.s32 s5, $0x0;
	s5 =	sld [smem:$0x3FAF]  }
0x2b: {  	s6 =	sld [smem:$0x3FB0]  }
0x2c: {  	s7 =	sld [smem:$0x3FB1]  }
0x2d: {  	s3 =	simm.s32 $0x108;
	s8 =	sld [smem:$0x3FB2]  }
0x2e: {  	s3 =	simm.s32 @!p0 $0x1082;
	s9 =	sld [smem:$0x3FB3]  }
0x2f: {  	lr =	sadd.s32 s0, s3;
	s0 =	sld [smem:$0x3FAA]  }
0x30: {  	s3 =	sld [smem:$0x3FAD]  }
0x31: {  	[smem:$0x3FB6] =	sst s10  }
0x32: {  	s10 =	sld [smem:$0x3FB4];
	_ =	sdelay $0x3  }
0x33: {  	p0 =	seq.s32 s10, $0x1;
	s10 =	sld [smem:$0x3FB6];
	_ =	sdelay $0x3  }
0x34: {  	[smem:$0x3FB6] =	sst s10  }
0x35: {  	s10 =	sld [smem:$0x3FB5];
	_ =	sdelay $0x3  }
0x36: {  	p1 =	seq.s32 s10, $0x1;
	s10 =	sld [smem:$0x3FB6];
	_ =	sdelay $0x3  }
0x37: {  	[smem:$0x3FB6] =	sst s10  }
0x38: {  	s10 =	sld [smem:$0x3FB7]  }
0x39: {  	_ = 	snop;
	(pc) =	sbr.ind lr, $3  }
0x3a: {  	_ = 	snop  }
0x3b: {  	_ = 	snop  }
0x3c: {  	p2 =	seq.s32 s10, $0x1;
	s10 =	sld [smem:$0x3FB6]  }
0x3d: {  	_ =	shalt  }
0x3e: {  	_ =	shalt  }
0x3f: {  	_ =	shalt  }
0x40: {  	_ =	shalt  }
0x41: {  	_ =	shalt  }
0x42: {  	_ =	shalt  }
0x43: {  	_ =	shalt  }
0x44: {  	_ =	shalt  }
0x45: {  	_ =	shalt  }
0x46: {  	_ =	shalt  }
0x47: {  	_ =	shalt  }
0x48: {  	_ =	shalt  }
0x49: {  	_ =	shalt  }
0x4a: {  	_ =	shalt  }
0x4b: {  	_ =	shalt  }
0x4c: {  	_ =	shalt  }
0x4d: {  	_ =	shalt  }
0x4e: {  	_ =	shalt  }
0x4f: {  	_ =	shalt  }
0x50: {  	_ =	shalt  }
0x51: {  	_ =	shalt  }
0x52: {  	_ =	shalt  }
0x53: {  	_ =	shalt  }
0x54: {  	_ =	shalt  }
0x55: {  	_ =	shalt  }
0x56: {  	_ =	shalt  }
0x57: {  	_ =	shalt  }
0x58: {  	_ =	shalt  }
0x59: {  	_ =	shalt  }
0x5a: {  	_ =	shalt  }
0x5b: {  	_ =	shalt  }
0x5c: {  	_ =	shalt  }
0x5d: {  	_ =	shalt  }
0x5e: {  	_ =	shalt  }
0x5f: {  	_ =	shalt  }
0x60: {  	_ =	shalt  }
0x61: {  	_ =	shalt  }
0x62: {  	_ =	shalt  }
0x63: {  	_ =	shalt  }
0x64: {  	_ =	shalt  }
0x65: {  	_ =	shalt  }
0x66: {  	_ =	shalt  }
0x67: {  	_ =	shalt  }
0x68: {  	_ =	shalt  }
0x69: {  	_ =	shalt  }
0x6a: {  	_ =	shalt  }
0x6b: {  	_ =	shalt  }
0x6c: {  	_ =	shalt  }
0x6d: {  	_ =	shalt  }
0x6e: {  	_ =	shalt  }
0x6f: {  	_ =	shalt  }
0x70: {  	_ =	shalt  }
0x71: {  	_ =	shalt  }
0x72: {  	_ =	shalt  }
0x73: {  	_ =	shalt  }
0x74: {  	_ =	shalt  }
0x75: {  	_ =	shalt  }
0x76: {  	_ =	shalt  }
0x77: {  	_ =	shalt  }
0x78: {  	_ =	shalt  }
0x79: {  	_ =	shalt  }
0x7a: {  	_ =	shalt  }
0x7b: {  	_ =	shalt  }
0x7c: {  	_ =	shalt  }
0x7d: {  	_ =	shalt  }
0x7e: {  	_ =	shalt  }
0x7f: {  	_ =	shalt  }
0x80: {  	_ =	shalt  }
0x81: {  	_ =	shalt  }
0x82: {  	_ =	shalt  }
0x83: {  	_ =	shalt  }
0x84: {  	_ =	shalt  }
0x85: {  	_ =	shalt  }
0x86: {  	_ =	shalt  }
0x87: {  	_ =	shalt  }
.Lfunc_end0:
.L_simem_size_0:
called_computation_lowered:
.L_overlay_start_0:
0x88: {  	s2 =	sld [smem:$0x3FD9]  }
0x89: {  	s3 =	sld [smem:$0x3FFE];
	_ =	sdelay $0x1  }
0x8a: {  	s1 =	srdreg.scid  }
0x8b: {  	s0 =	sand.u32 $0x1, s1  }
0x8c: {  	s17 =	sshll.u32 s0, $0xA;
	s2 =	sadd.s32 s3, s2  }
0x8d: {  	s2 =	sadd.s32 s2, s17  }
0x8e: {  	[smem:$0x3FC2] =	sst s2  }
0x8f: {  	_ = 	snop  }
0x90: {  	s2 =	sld [smem:$0x3FD0];
	(tm) =	ssettm $0x1  }
0x91: {  	s18 =	sld [smem:$0x3FFB];
	_ =	sdelay $0x3  }
0x92: {  	_ =	strace s18  }
0x93: {  	s3 =	sld [smem:$0x3FFC];
	_ =	sdelay $0x3  }
0x94: {  	_ =	strace s3  }
0x95: {  	s3 =	sld [smem:$0x3FFD];
	_ =	sdelay $0x3  }
0x96: {  	_ =	strace s3  }
0x97: {  	_ =	strace $0x8FFFFFFF  }
0x98: {  	s19 =	sld [smem:$0x3FDB];
	_ =	sdelay $0x1  }
0x99: {  	s4 =	simm.s32 $_scs_section_size  }
0x9a: {  	s5 =	simm.s32 $_size__tile_overlayer_lowered;
	s6 =	simm.s32 $_tile_overlayer_lowered  }
0x9b: {  	s22 =	simm.s32 $0x1BFF;
	s21 =	sshll.u32 s6, $0x1;
	s3 =	sadd.s32 s4, s19  }
0x9c: {  	s7 =	simm.s32 $0x0;
	s20 =	sshll.u32 s5, $0x1;
	s5 =	sadd.s32 s21, s3  }
0x9d: {  	[timem:s7], [sflag:s22] =	dma.local [hbm:s5], s20  }
0x9e: {  	_ =	swait.ge [sflag:s22], s20  }
0x9f: {  	s4 =	ssub.s32 $0x0, s20;
	[sflag:s22] =	ssyncset.done $0x0  }
0xa0: {  	[sflag:s22] =	ssyncadd.s32 s4;
	_ =	sdelay $0x1  }
0xa1: {  	s23 =	simm.s32 $0x1B8B  }
0xa2: {  	_ =	swait.ge [sflag:s23], $0x1  }
0xa3: {  	[sflag:s23] =	ssyncset.done $0x0  }
0xa4: {  	s25 =	simm.s32 $0x1B8E;
	s24 =	sld [smem:$0x3FFE];
	[sflag:s23] =	ssyncadd.s32 $0xFFFFFFFF  }
0xa5: {  	s26 =	simm.s32 $execute0_lowered;
	[smem:$0x3FD2] =	sst s25  }
0xa6: {  	s5 =	sshll.u32 s26, $0x1;
	_ =	strace $0x80000046;
	[dreg:$0x1] =	wrdreg $0xFFFFFFFF  }
0xa7: {  	s28 =	simm.s32 $_size_execute0_lowered;
	s3 =	sadd.s32 s3, s5;
	[dreg:$0x0] =	wrdreg $0x0  }
0xa8: {  	s5 =	sshll.u32 s28, $0x1;
	[dreg:$0x2] =	wrdreg s3  }
0xa9: {  	[dreg:$0x3] =	wrdreg s5  }
0xaa: {  	[dreg:$0x4] =	wrdreg $0xC0  }
0xab: {  	_ =	task [dreg:s7], $0x5FFFF  }
0xac: {  	[dreg:$0x1] =	wrdreg $0xFFFFFFFF  }
0xad: {  	[dreg:$0x0] =	wrdreg $0x60  }
0xae: {  	[dreg:$0x2] =	wrdreg s24  }
0xaf: {  	[dreg:$0x3] =	wrdreg s2  }
0xb0: {  	[dreg:$0x4] =	wrdreg $0xC4000  }
0xb1: {  	[dreg:$0x5] =	wrdreg $0x9  }
0xb2: {  	_ =	task.clear_ibuf [dreg:s7], $0x6FFFF;
	_ =	strace $0x90000046  }
0xb3: {  	s29 =	simm.s32 $0x9;
	_ =	strace $0x80000048  }
0xb4: {  	_ =	swait.ge [sflag:s29], $0x1  }
0xb5: {  	[sflag:s29] =	ssyncadd.s32 $0xFFFFFFFF  }
0xb6: {  	_ =	strace $0x90000048  }
0xb7: {  	_ =	sfence  }
0xb8: {  	s30 =	sld [smem:$0x0];
	_ =	sdelay $0x2  }
0xb9: {  	s31 =	sshll.u32 s1, $0xD;
	s1 =	sshrl.u32 s1, $0x2  }
0xba: {  	s3 =	sand.u32 $0x4000, s31;
	s1 =	sadd.s32 s1, s30  }
0xbb: {  	s0 =	sor.u32 s3, s0;
	s1 =	sshll.u32 s1, $0x11  }
0xbc: {  	s0 =	sor.u32 s1, s0  }
0xbd: {  	s0 =	sadd.s32 $0x8F2B, s0  }
0xbe: {  	[sflag:s0] =	ssyncadd.remote.s32 $0x1  }
0xbf: {  	_ =	sfence.sel $0xFFFF  }
0xc0: {  	[dreg:$0x0] =	wrdreg $0xFFFFFFFF;
	(pc) =	sbr.abs _section_cstart, $3  }
0xc1: {  	[dreg:$0x1] =	wrdreg $0xFFFFFFFF  }
0xc2: {  	_ =	task.clear_ibuf [dreg:s7], $0x2FFFF;
	_ =	strace $0x9FFFFFFF  }
0xc3: {  	(tm) =	ssettm $0x7FFFFFFF  }
tec
execute0_lowered:
.L_overlay_start_1:
0x0: {  	(tag) =	ssettag $0x1  }
0x1: {  	s0 =	srdreg.scid  }
0x2: {  	s4 =	sand.u32 $0x1, s0  }
0x3: {  	s3 =	rddreg [dreg:$0x0];
	s6 =	sshll.u32 s4, $0x4;
	s4 =	ssub.s32 $0x2, s4  }
0x4: {  	s8 =	rddreg [dreg:$0x1];
	s9 =	sshrl.u32 s4, $0x1  }
0x5: {  	s5 =	stileid.u32;
	s1 =	rddreg [dreg:$0x2];
	s4 =	ssub.s32 s4, s9  }
0x6: {  	s2 =	simm.s32 $0x0;
	p1 =	por $0x0, $0x0;
	s4 =	smax.u32 s4, $0x1  }
0x7: {  	s0 =	rddreg [dreg:$0x3];
	s7 =	sor.u32 s5, s6;
	s15 =	sadd.s32 $0xFFFFFFFF, s4  }
0x8: {  	[smem:$0x7FF] =	sst s2;
	s7 =	smul.u32 $0x18800, s7;
	p2 =	sne.s32 s15, $0x0  }
.Ltmp0:
0x9: {  	s12 =	sadd.s32 $0x64C00, s3;
	p0 =	sne.s32 s5, $0x0;
	(pc) =	sbr.rel @!p2 .LBB2_3-.Ltmp0, $4  }
0xa: {  	_ =	strace $0x80000047;
	s6 =	sadd.s32 s6, s3;
	s7 =	sshrl.u32 s7, $0x3  }
0xb: {  	s5 =	simm.s32 $0x1;
	s4 =	sshrl.u32 @!p0 s1, $0x3;
	s7 =	sadd.s32 s7, s3  }
0xc: {  	s3 =	sadd.s32 $0x67E00, s6;
	s6 =	simm.s32 $0x6200;
	s11 =	sadd.s32 $0x2C00, s7  }
0xd: {  	s10 =	sadd.s32 $0x3840, s7;
	s9 =	sadd.s32 $0x4480, s7;
	s7 =	sadd.s32 $0x50C0, s7  }
0xe: {  	s14 =	simm.s32 @!p0 $0x1C01;
	s13 =	simm.s32 @!p0 $0x1  }
0xf: {  	[spmem:s4], [sflag:s14] =	dma.local @!p0 [hbm:s12], $0x3100  }
0x10: {  	_ =	swait.ge @!p0 [sflag:s13], $0x3100  }
0x11: {  	[sflag:s13] =	ssyncset.done @!p0 $0x0  }
0x12: {  	[sflag:s13] =	ssyncadd.s32 @!p0 $0xFFFFCF00  }
0x13: {  	[tilespmem:s6], [sflag:$0x1] =	stream.linear.gather [hbm4b:s8+s2], $0x6200, $0x38;
	[tilespmem:$0xDC80] =	vst v63  }
0x14: {  	_ =	swait.ge [sflag:s5], $0x6200  }
0x15: {  	[sflag:s5] =	ssyncset.done $0x0  }
0x16: {  	[sflag:s5] =	ssyncadd.s32 $0xFFFF9E00  }
0x17: {  	[bflag:$0x0] =	sbarrier.arrive $0xFFFF  }
0x18: {  	[tilespmem:s2], [sflag:$0x1] =	stream.linear.gather [hbm4b:s11+s2], $0x6200, $0x38;
	[tilespmem:$0xDC80] =	vst v63  }
0x19: {  	_ =	swait.ge [sflag:s5], $0x6200  }
0x1a: {  	[sflag:s5] =	ssyncset.done $0x0  }
0x1b: {  	[sflag:s5] =	ssyncadd.s32 $0xFFFF9E00  }
0x1c: {  	[spmem:s1] =	stream.indirect.scatter.add.f32 [tilespmem:s6], [sflag:$0x1], $0x1, s2, s6, $0xb8;
	[tilespmem:$0xDC80] =	vst v63  }
0x1d: {  	_ =	swait.ge [sflag:s5], $0x6200  }
0x1e: {  	[sflag:s5] =	ssyncset.done $0x0  }
0x1f: {  	[sflag:s5] =	ssyncadd.s32 $0xFFFF9E00  }
0x20: {  	[tilespmem:s2], [sflag:$0x1] =	stream.linear.gather [hbm4b:s10+s2], $0x6200, $0x38;
	[tilespmem:$0xDC80] =	vst v63  }
0x21: {  	_ =	swait.ge [sflag:s5], $0x6200  }
0x22: {  	[sflag:s5] =	ssyncset.done $0x0  }
0x23: {  	[sflag:s5] =	ssyncadd.s32 $0xFFFF9E00  }
0x24: {  	[spmem:s1] =	stream.indirect.scatter.add.f32 [tilespmem:s6], [sflag:$0x1], $0x1, s2, s6, $0xb8;
	[tilespmem:$0xDC80] =	vst v63  }
0x25: {  	_ =	swait.ge [sflag:s5], $0x6200  }
0x26: {  	[sflag:s5] =	ssyncset.done $0x0  }
0x27: {  	[sflag:s5] =	ssyncadd.s32 $0xFFFF9E00  }
0x28: {  	[tilespmem:s2], [sflag:$0x1] =	stream.linear.gather [hbm4b:s9+s2], $0x6200, $0x38;
	[tilespmem:$0xDC80] =	vst v63  }
0x29: {  	_ =	swait.ge [sflag:s5], $0x6200  }
0x2a: {  	[sflag:s5] =	ssyncset.done $0x0  }
0x2b: {  	[sflag:s5] =	ssyncadd.s32 $0xFFFF9E00  }
0x2c: {  	[spmem:s1] =	stream.indirect.scatter.add.f32 [tilespmem:s6], [sflag:$0x1], $0x1, s2, s6, $0xb8;
	[tilespmem:$0xDC80] =	vst v63  }
0x2d: {  	_ =	swait.ge [sflag:s5], $0x6200  }
0x2e: {  	[sflag:s5] =	ssyncset.done $0x0  }
0x2f: {  	[sflag:s5] =	ssyncadd.s32 $0xFFFF9E00  }
0x30: {  	[tilespmem:s2], [sflag:$0x1] =	stream.linear.gather [hbm4b:s7+s2], $0x6200, $0x38;
	[tilespmem:$0xDC80] =	vst v63  }
0x31: {  	_ =	swait.ge [sflag:s5], $0x6200  }
0x32: {  	[sflag:s5] =	ssyncset.done $0x0  }
0x33: {  	[sflag:s5] =	ssyncadd.s32 $0xFFFF9E00  }
0x34: {  	[spmem:s1] =	stream.indirect.scatter.add.f32 [tilespmem:s6], [sflag:$0x1], $0x1, s2, s6, $0xb8;
	[tilespmem:$0xDC80] =	vst v63  }
0x35: {  	s15 =	sadd.s32 $0xFFFFFFFF, s15;
	_ =	swait.ge [sflag:s5], $0x6200  }
0x36: {  	p2 =	sne.s32 s15, $0x0;
	[sflag:s5] =	ssyncset.done $0x0  }
.Ltmp1:
0x37: {  	[sflag:s5] =	ssyncadd.s32 $0xFFFF9E00;
	(pc) =	sbr.rel @!p2 .LBB2_3-.Ltmp1, $4  }
0x38: {  	s16 =	simm.s32 @!p0 $0x20;
	s17 =	simm.s32 @!p0 $0x10;
	[bflag:$0x0] =	sbarrier.arrive $0xFFFF  }
0x39: {  	[hbm:s3@s16], [sflag:s14] =	dma.strided @!p0 [spmem:s4@s17], $0x3100, s13, $0x10   }
0x3a: {  	_ =	swait.ge @!p0 [sflag:s13], $0x3100  }
0x3b: {  	p1 =	por $0x1, $0x1;
	[sflag:s13] =	ssyncset.done @!p0 $0x0  }
.LBB2_2:
0x3c: {  	[sflag:s13] =	ssyncadd.s32 @!p0 $0xFFFFCF00  }
0x3d: {  	[spmem:s4], [sflag:s14] =	dma.local @!p0 [hbm:s12], $0x3100  }
0x3e: {  	s15 =	sadd.s32 $0xFFFFFFFF, s15;
	_ =	swait.ge @!p0 [sflag:s13], $0x3100  }
0x3f: {  	p2 =	sne.s32 s15, $0x0;
	[sflag:s13] =	ssyncset.done @!p0 $0x0  }
0x40: {  	[sflag:s13] =	ssyncadd.s32 @!p0 $0xFFFFCF00  }
0x41: {  	[tilespmem:s6], [sflag:$0x1] =	stream.linear.gather [hbm4b:s8+s2], $0x6200, $0x38;
	[tilespmem:$0xDC80] =	vst v63  }
0x42: {  	_ =	swait.ge [sflag:s5], $0x6200  }
0x43: {  	[sflag:s5] =	ssyncset.done $0x0  }
0x44: {  	[sflag:s5] =	ssyncadd.s32 $0xFFFF9E00  }
0x45: {  	[bflag:$0x0] =	sbarrier.arrive $0xFFFF  }
0x46: {  	[tilespmem:s2], [sflag:$0x1] =	stream.linear.gather [hbm4b:s11+s2], $0x6200, $0x38;
	[tilespmem:$0xDC80] =	vst v63  }
0x47: {  	_ =	swait.ge [sflag:s5], $0x6200  }
0x48: {  	[sflag:s5] =	ssyncset.done $0x0  }
0x49: {  	[sflag:s5] =	ssyncadd.s32 $0xFFFF9E00  }
0x4a: {  	[spmem:s1] =	stream.indirect.scatter.add.f32 [tilespmem:s6], [sflag:$0x1], $0x1, s2, s6, $0xb8;
	[tilespmem:$0xDC80] =	vst v63  }
0x4b: {  	_ =	swait.ge [sflag:s5], $0x6200  }
0x4c: {  	[sflag:s5] =	ssyncset.done $0x0  }
0x4d: {  	[sflag:s5] =	ssyncadd.s32 $0xFFFF9E00  }
0x4e: {  	[tilespmem:s2], [sflag:$0x1] =	stream.linear.gather [hbm4b:s10+s2], $0x6200, $0x38;
	[tilespmem:$0xDC80] =	vst v63  }
0x4f: {  	_ =	swait.ge [sflag:s5], $0x6200  }
0x50: {  	[sflag:s5] =	ssyncset.done $0x0  }
0x51: {  	[sflag:s5] =	ssyncadd.s32 $0xFFFF9E00  }
0x52: {  	[spmem:s1] =	stream.indirect.scatter.add.f32 [tilespmem:s6], [sflag:$0x1], $0x1, s2, s6, $0xb8;
	[tilespmem:$0xDC80] =	vst v63  }
0x53: {  	_ =	swait.ge [sflag:s5], $0x6200  }
0x54: {  	[sflag:s5] =	ssyncset.done $0x0  }
0x55: {  	[sflag:s5] =	ssyncadd.s32 $0xFFFF9E00  }
0x56: {  	[tilespmem:s2], [sflag:$0x1] =	stream.linear.gather [hbm4b:s9+s2], $0x6200, $0x38;
	[tilespmem:$0xDC80] =	vst v63  }
0x57: {  	_ =	swait.ge [sflag:s5], $0x6200  }
0x58: {  	[sflag:s5] =	ssyncset.done $0x0  }
0x59: {  	[sflag:s5] =	ssyncadd.s32 $0xFFFF9E00  }
0x5a: {  	[spmem:s1] =	stream.indirect.scatter.add.f32 [tilespmem:s6], [sflag:$0x1], $0x1, s2, s6, $0xb8;
	[tilespmem:$0xDC80] =	vst v63  }
0x5b: {  	_ =	swait.ge [sflag:s5], $0x6200  }
0x5c: {  	[sflag:s5] =	ssyncset.done $0x0  }
0x5d: {  	[sflag:s5] =	ssyncadd.s32 $0xFFFF9E00  }
0x5e: {  	[tilespmem:s2], [sflag:$0x1] =	stream.linear.gather [hbm4b:s7+s2], $0x6200, $0x38;
	[tilespmem:$0xDC80] =	vst v63  }
0x5f: {  	_ =	swait.ge [sflag:s5], $0x6200  }
0x60: {  	[sflag:s5] =	ssyncset.done $0x0  }
0x61: {  	[sflag:s5] =	ssyncadd.s32 $0xFFFF9E00  }
0x62: {  	[spmem:s1] =	stream.indirect.scatter.add.f32 [tilespmem:s6], [sflag:$0x1], $0x1, s2, s6, $0xb8;
	[tilespmem:$0xDC80] =	vst v63  }
0x63: {  	_ =	swait.ge [sflag:s5], $0x6200  }
0x64: {  	[sflag:s5] =	ssyncset.done $0x0  }
.Ltmp2:
0x65: {  	[sflag:s5] =	ssyncadd.s32 $0xFFFF9E00;
	(pc) =	sbr.rel @p2 .LBB2_2-.Ltmp2, $4  }
0x66: {  	[bflag:$0x0] =	sbarrier.arrive $0xFFFF  }
0x67: {  	[hbm:s3@s16], [sflag:s14] =	dma.strided @!p0 [spmem:s4@s17], $0x3100, s13, $0x10   }
0x68: {  	_ =	swait.ge @!p0 [sflag:s13], $0x3100  }
0x69: {  	[sflag:s13] =	ssyncset.done @!p0 $0x0  }
.LBB2_3:
0x6a: {  	p1 =	por p0, !p1  }
0x6b: {  	s14 =	simm.s32 @!p0 $0x1C01;
	s15 =	simm.s32 @!p0 $0x1;
	[sflag:s13] =	ssyncadd.s32 @!p1 $0xFFFFCF00  }
0x6c: {  	[spmem:s4], [sflag:s14] =	dma.local @!p0 [hbm:s12], $0x3100  }
0x6d: {  	_ =	swait.ge @!p0 [sflag:s15], $0x3100  }
0x6e: {  	[sflag:s15] =	ssyncset.done @!p0 $0x0  }
0x6f: {  	[sflag:s15] =	ssyncadd.s32 @!p0 $0xFFFFCF00  }
0x70: {  	[tilespmem:s6], [sflag:$0x1] =	stream.linear.gather [hbm4b:s8+s2], $0x6200, $0x38;
	[tilespmem:$0xDC80] =	vst v63  }
0x71: {  	_ =	swait.ge [sflag:s5], $0x6200  }
0x72: {  	[sflag:s5] =	ssyncset.done $0x0  }
0x73: {  	[sflag:s5] =	ssyncadd.s32 $0xFFFF9E00  }
0x74: {  	[bflag:$0x0] =	sbarrier.arrive $0xFFFF  }
0x75: {  	[tilespmem:s2], [sflag:$0x1] =	stream.linear.gather [hbm4b:s11+s2], $0x6200, $0x38;
	[tilespmem:$0xDC80] =	vst v63  }
0x76: {  	_ =	swait.ge [sflag:s5], $0x6200  }
0x77: {  	[sflag:s5] =	ssyncset.done $0x0  }
0x78: {  	[sflag:s5] =	ssyncadd.s32 $0xFFFF9E00  }
0x79: {  	[spmem:s1] =	stream.indirect.scatter.add.f32 [tilespmem:s6], [sflag:$0x1], $0x1, s2, s6, $0xb8;
	[tilespmem:$0xDC80] =	vst v63  }
0x7a: {  	_ =	swait.ge [sflag:s5], $0x6200  }
0x7b: {  	[sflag:s5] =	ssyncset.done $0x0  }
0x7c: {  	[sflag:s5] =	ssyncadd.s32 $0xFFFF9E00  }
0x7d: {  	[tilespmem:s2], [sflag:$0x1] =	stream.linear.gather [hbm4b:s10+s2], $0x6200, $0x38;
	[tilespmem:$0xDC80] =	vst v63  }
0x7e: {  	_ =	swait.ge [sflag:s5], $0x6200  }
0x7f: {  	[sflag:s5] =	ssyncset.done $0x0  }
0x80: {  	[sflag:s5] =	ssyncadd.s32 $0xFFFF9E00  }
0x81: {  	[spmem:s1] =	stream.indirect.scatter.add.f32 [tilespmem:s6], [sflag:$0x1], $0x1, s2, s6, $0xb8;
	[tilespmem:$0xDC80] =	vst v63  }
0x82: {  	_ =	swait.ge [sflag:s5], $0x6200  }
0x83: {  	[sflag:s5] =	ssyncset.done $0x0  }
0x84: {  	[sflag:s5] =	ssyncadd.s32 $0xFFFF9E00  }
0x85: {  	[tilespmem:s2], [sflag:$0x1] =	stream.linear.gather [hbm4b:s9+s2], $0x6200, $0x38;
	[tilespmem:$0xDC80] =	vst v63  }
0x86: {  	_ =	swait.ge [sflag:s5], $0x6200  }
0x87: {  	[sflag:s5] =	ssyncset.done $0x0  }
0x88: {  	[sflag:s5] =	ssyncadd.s32 $0xFFFF9E00  }
0x89: {  	[spmem:s1] =	stream.indirect.scatter.add.f32 [tilespmem:s6], [sflag:$0x1], $0x1, s2, s6, $0xb8;
	[tilespmem:$0xDC80] =	vst v63  }
0x8a: {  	_ =	swait.ge [sflag:s5], $0x6200  }
0x8b: {  	[sflag:s5] =	ssyncset.done $0x0  }
0x8c: {  	[sflag:s5] =	ssyncadd.s32 $0xFFFF9E00  }
0x8d: {  	[tilespmem:s2], [sflag:$0x1] =	stream.linear.gather [hbm4b:s7+s2], $0x6200, $0x38;
	[tilespmem:$0xDC80] =	vst v63  }
0x8e: {  	_ =	swait.ge [sflag:s5], $0x6200  }
0x8f: {  	[sflag:s5] =	ssyncset.done $0x0  }
0x90: {  	[sflag:s5] =	ssyncadd.s32 $0xFFFF9E00  }
0x91: {  	[spmem:s1] =	stream.indirect.scatter.add.f32 [tilespmem:s6], [sflag:$0x1], $0x1, s2, s6, $0xb8;
	[tilespmem:$0xDC80] =	vst v63  }
0x92: {  	_ =	swait.ge [sflag:s5], $0x6200  }
0x93: {  	[sflag:s5] =	ssyncset.done $0x0  }
0x94: {  	[sflag:s5] =	ssyncadd.s32 $0xFFFF9E00  }
0x95: {  	s1 =	simm.s32 @!p0 $0x20;
	s2 =	simm.s32 @!p0 $0x10;
	[bflag:$0x0] =	sbarrier.arrive $0xFFFF  }
0x96: {  	[hbm:s3@s1], [sflag:s14] =	dma.strided @!p0 [spmem:s4@s2], $0x3100, s15, $0x10   }
0x97: {  	_ =	swait.ge @!p0 [sflag:s15], $0x3100  }
0x98: {  	[sflag:s15] =	ssyncset.done @!p0 $0x0  }
0x99: {  	[sflag:s15] =	ssyncadd.s32 @!p0 $0xFFFFCF00  }
0x9a: {  	_ =	sfence.sel $0x180000  }
0x9b: {  	[bflag:$0x0] =	sbarrier.arrive $0xFFFF  }
0x9c: {  	_ =	strace $0x90000047  }
0x9d: {  	s0 =	sadd.s32 @!p0 $0x100000, s0;
	[bflag:$0x2] =	sbarrier.arrive $0xFFFF  }
0x9e: {  	[sflag:s0] =	ssyncadd.tile.s32 @!p0 $0x1;
	_ =	shalt  }
.Lfunc_end2:
_tile_overlayer_lowered:
.L_overlay_start_2:
0x9f: {  	(tag) =	ssettag $0x2  }
0xa0: {  	s0 =	rddreg [dreg:$0x0];
	s2 =	stileid.u32  }
0xa1: {  	s1 =	rddreg [dreg:$0x1];
	p0 =	sne.s32 s2, $0x0  }
0xa2: {  	s3 =	rddreg [dreg:$0x2];
	[bflag:$0x3] =	sbarrier.arrive $0xFFFF;
	s2 =	simm.s32 @!p0 $0x1C01  }
0xa3: {  	[timem:s3], [sflag:s2] =	dma.local @!p0 [hbm:s0], s1  }
0xa4: {  	s0 =	simm.s32 @!p0 $0x1  }
0xa5: {  	_ =	swait.ge @!p0 [sflag:s0], s1  }
0xa6: {  	s1 =	ssub.s32 @!p0 $0x0, s1;
	[sflag:s0] =	ssyncset.done @!p0 $0x0  }
0xa7: {  	[sflag:s0] =	ssyncadd.s32 @!p0 s1  }
0xa8: {  	[bflag:$0x3] =	sbarrier.arrive $0xFFFF  }
0xa9: {  	_ =	shalt  }

</sc_bundles>
